<compile_context>
chip_gen: v7x
topology: tpu7x:2x2x1
jax: 0.10.2.dev20260603
libtpu: 0.0.44.dev20260713+nightly
codegen_flags: <defaults>
</compile_context>

<pallas_src>
import functools

import jax
import jax.numpy as jnp
from jax import lax
from jax.experimental import pallas as pl
from jax.experimental.pallas import tpu as pltpu
from jax.experimental.pallas import tpu_sc as plsc

B = 16384
D = 128
L = 16
NC = 2
NS = 16
NW = NC * NS
BPW = B // NW
CHUNK = 16
NCHUNK = BPW // CHUNK

_mesh = plsc.VectorSubcoreMesh(core_axis_name="c", subcore_axis_name="s")


@functools.partial(
    pl.kernel,
    mesh=_mesh,
    out_type=jax.ShapeDtypeStruct((B,), jnp.float32),
    compiler_params=pltpu.CompilerParams(
        needs_layout_passes=False,
        disable_bounds_checks=True,
        disable_semaphore_checks=True,
        use_tc_tiling_on_sc=False,
    ),
    scratch_types=[
        pltpu.VMEM((BPW,), jnp.int32),
        pltpu.VMEM((BPW, D), jnp.float32),
        pltpu.VMEM((D,), jnp.float32),
        pltpu.VMEM((BPW,), jnp.float32),
        pltpu.SemaphoreType.DMA,
    ],
)
def _sc_dot_gather(idx_hbm, table_hbm, user_hbm, out_hbm,
                   idx_v, rows_v, user_v, out_v, sem):
    wid = lax.axis_index("s") * NC + lax.axis_index("c")
    base = wid * BPW

    cp_idx = pltpu.async_copy(idx_hbm.at[pl.ds(base, BPW)], idx_v, sem)
    cp_user = pltpu.async_copy(user_hbm.at[0], user_v, sem)
    cp_idx.wait()
    cp_user.wait()

    for j in range(NCHUNK):
        pltpu.async_copy(
            table_hbm.at[idx_v.at[pl.ds(j * CHUNK, CHUNK)]],
            rows_v.at[pl.ds(j * CHUNK, CHUNK)],
            sem,
        )

    uvecs = [user_v[pl.ds(c * L, L)] for c in range(D // L)]
    lane = lax.iota(jnp.int32, L)

    def row_body(row, vec):
        acc = uvecs[0] * rows_v[row, pl.ds(0, L)]
        for c in range(1, D // L):
            acc = acc + uvecs[c] * rows_v[row, pl.ds(c * L, L)]
        dot = jnp.sum(acc)
        return jnp.where(lane == (row & (L - 1)), dot, vec)

    def block_body(b, carry):
        pltpu.make_async_copy(
            table_hbm.at[pl.ds(0, CHUNK)],
            rows_v.at[pl.ds(0, CHUNK)],
            sem,
        ).wait()
        vec = lax.fori_loop(b * L, (b + 1) * L, row_body,
                            jnp.zeros((L,), jnp.float32))
        out_v[pl.ds(b * L, L)] = vec
        return carry

    lax.fori_loop(0, BPW // L, block_body, 0)

    pltpu.sync_copy(out_v, out_hbm.at[pl.ds(base, BPW)])


def kernel(user_input, item_input, item_embedding, user_embedding):
    return _sc_dot_gather(item_input.astype(jnp.int32), item_embedding,
                          user_embedding)

# --- scband reference (transcript-rebuilt; emitter-appended) ---
"""Pipeline reference for scband-matrix-factorization-model-32100585571057 (READ-ONLY COPY).

The authoritative reference and input builder live on the scoring server;
editing this copy changes nothing except your own understanding.
"""

import jax, jax.numpy as jnp
import numpy as np

NUM_ITEMS = 100000
D = 128
B = 16384


def setup_inputs(seed: int = 0) -> dict:
    key = jax.random.key(seed)
    k1, k2, k3 = jax.random.split(key, 3)
    item_input = jax.random.randint(k1, (B,), 0, NUM_ITEMS, dtype=jnp.int64 if jax.config.jax_enable_x64 else jnp.int32)
    # kaiming_uniform_ with fan_in = num_latent_factors: bound = sqrt(6/fan_in)
    bound = float(np.sqrt(6.0 / D))
    item_embedding = jax.random.uniform(k2, (NUM_ITEMS, D), minval=-bound, maxval=bound, dtype=jnp.float32)
    user_embedding = jax.random.uniform(k3, (1, D), minval=-bound, maxval=bound, dtype=jnp.float32)
    return {
        "user_input": 0,
        "item_input": item_input,
        "item_embedding": item_embedding,
        "user_embedding": user_embedding,
    }


def reference(user_input, item_input, item_embedding, user_embedding):
    # UserEmbedding.forward ignores input and returns the single user vector
    user_emb = user_embedding  # [1, D]
    # ItemEmbedding lookup (gather)
    item_emb = jnp.take(item_embedding, item_input, axis=0)  # [B, D]
    flat_item_vec = item_emb.reshape(-1, D)
    flat_user_vec = user_emb.reshape(-1, D)
    prediction = jnp.matmul(flat_user_vec, flat_item_vec.T).reshape(-1)  # [B]
    return prediction

if __name__ == "__main__":
    import jax
    _d = setup_inputs()
    print(jax.jit(kernel)(*tuple(_d.values())))

</pallas_src>

<mosaic_0001>
#map = affine_map<(d0, d1) -> (0)>
#map1 = affine_map<(d0, d1) -> (0, 0)>
module attributes {stable_mosaic.version = 14 : i64} {
  func.func @_sc_dot_gather(%arg0: i32, %arg1: i32, %arg2: memref<16384xi32, #tpu.memory_space<hbm>>, %arg3: memref<100000x128xf32, #tpu.memory_space<hbm>>, %arg4: memref<1x128xf32, #tpu.memory_space<hbm>>, %arg5: memref<16384xf32, #tpu.memory_space<hbm>>, %arg6: memref<512xi32, #tpu.memory_space<vmem>>, %arg7: memref<512x128xf32, #tpu.memory_space<vmem>>, %arg8: memref<128xf32, #tpu.memory_space<vmem>>, %arg9: memref<512xf32, #tpu.memory_space<vmem>>, %arg10: memref<!tpu.dma_semaphore, #tpu.memory_space<semaphore_mem>>) attributes {dimension_semantics = [#tpu.dimension_semantics<core_parallel>, #tpu.dimension_semantics<subcore_parallel>], iteration_bounds = array<i64: 2, 16>, scalar_prefetch = 0 : i64, scratch_operands = 5 : i64, tpu.core_type = #tpu.core_type<sc_vector_subcore>, window_params = [{transform_indices = #map}, {transform_indices = #map1}, {transform_indices = #map1}, {transform_indices = #map}]} {
    %mul3A = arith.constant 2 : i32
    %mul3A_0 = arith.muli %arg1, %mul3A : i32
    %add3A = arith.addi %mul3A_0, %arg0 : i32
    %mul3A_1 = arith.constant 512 : i32
    %mul3A_2 = arith.muli %add3A, %mul3A_1 : i32
    %dma_start3A = tpu.memref_slice %arg2[%mul3A_2] : memref<16384xi32, #tpu.memory_space<hbm>> -> memref<512xi32, #tpu.memory_space<hbm>>
    %dma_start3A_3 = tpu.memref_slice %arg2[%mul3A_2] : memref<16384xi32, #tpu.memory_space<hbm>> -> memref<512xi32, #tpu.memory_space<hbm>>
    tpu.enqueue_dma source(%dma_start3A_3 : memref<512xi32, #tpu.memory_space<hbm>>) target(%arg6 : memref<512xi32, #tpu.memory_space<vmem>>) target_semaphore(%arg10 : memref<!tpu.dma_semaphore, #tpu.memory_space<semaphore_mem>>)
    %dma_start3A_4 = arith.constant 0 : i32
    %dma_start3A_5 = arith.constant 0 : i32
    %dma_start3A_6 = tpu.memref_slice %arg4[%dma_start3A_4, %dma_start3A_5] : memref<1x128xf32, #tpu.memory_space<hbm>> -> memref<1x128xf32, #tpu.memory_space<hbm>>
    %dma_start3A_7 = tpu.memref_squeeze %dma_start3A_6 : memref<1x128xf32, #tpu.memory_space<hbm>> -> memref<128xf32, #tpu.memory_space<hbm>>
    %dma_start3A_8 = arith.constant 0 : i32
    %dma_start3A_9 = tpu.memref_slice %arg4[%dma_start3A_4, %dma_start3A_8] : memref<1x128xf32, #tpu.memory_space<hbm>> -> memref<1x128xf32, #tpu.memory_space<hbm>>
    %dma_start3A_10 = tpu.memref_squeeze %dma_start3A_9 : memref<1x128xf32, #tpu.memory_space<hbm>> -> memref<128xf32, #tpu.memory_space<hbm>>
    tpu.enqueue_dma source(%dma_start3A_10 : memref<128xf32, #tpu.memory_space<hbm>>) target(%arg8 : memref<128xf32, #tpu.memory_space<vmem>>) target_semaphore(%arg10 : memref<!tpu.dma_semaphore, #tpu.memory_space<semaphore_mem>>)
    %dma_wait3A = tpu.memref_slice %arg2[%mul3A_2] : memref<16384xi32, #tpu.memory_space<hbm>> -> memref<512xi32, #tpu.memory_space<hbm>>
    %dma_wait3A_11 = tpu.memref_slice %arg2[%mul3A_2] : memref<16384xi32, #tpu.memory_space<hbm>> -> memref<512xi32, #tpu.memory_space<hbm>>
    tpu.wait_dma2 semaphore(%arg10 : memref<!tpu.dma_semaphore, #tpu.memory_space<semaphore_mem>>) src(%dma_wait3A_11 : memref<512xi32, #tpu.memory_space<hbm>>) dst(%arg6 : memref<512xi32, #tpu.memory_space<vmem>>)
    %dma_wait3A_12 = arith.constant 0 : i32
    %dma_wait3A_13 = arith.constant 0 : i32
    %dma_wait3A_14 = tpu.memref_slice %arg4[%dma_wait3A_12, %dma_wait3A_13] : memref<1x128xf32, #tpu.memory_space<hbm>> -> memref<1x128xf32, #tpu.memory_space<hbm>>
    %dma_wait3A_15 = tpu.memref_squeeze %dma_wait3A_14 : memref<1x128xf32, #tpu.memory_space<hbm>> -> memref<128xf32, #tpu.memory_space<hbm>>
    %dma_wait3A_16 = arith.constant 0 : i32
    %dma_wait3A_17 = tpu.memref_slice %arg4[%dma_wait3A_12, %dma_wait3A_16] : memref<1x128xf32, #tpu.memory_space<hbm>> -> memref<1x128xf32, #tpu.memory_space<hbm>>
    %dma_wait3A_18 = tpu.memref_squeeze %dma_wait3A_17 : memref<1x128xf32, #tpu.memory_space<hbm>> -> memref<128xf32, #tpu.memory_space<hbm>>
    tpu.wait_dma2 semaphore(%arg10 : memref<!tpu.dma_semaphore, #tpu.memory_space<semaphore_mem>>) src(%dma_wait3A_18 : memref<128xf32, #tpu.memory_space<hbm>>) dst(%arg8 : memref<128xf32, #tpu.memory_space<vmem>>)
    %dma_start3A_19 = arith.constant 0 : i32
    %dma_start3A_20 = arith.constant 0 : i32
    %dma_start3A_21 = tpu.memref_slice %arg7[%dma_start3A_19, %dma_start3A_20] : memref<512x128xf32, #tpu.memory_space<vmem>> -> memref<16x128xf32, #tpu.memory_space<vmem>>
    %dma_start3A_22 = arith.constant 0 : i32
    %dma_start3A_23 = tpu.memref_slice %arg6[%dma_start3A_22] : memref<512xi32, #tpu.memory_space<vmem>> -> memref<16xi32, #tpu.memory_space<vmem>>
    %dma_start3A_24 = arith.constant 0 : i32
    %dma_start3A_25 = arith.constant 0 : i32
    %dma_start3A_26 = tpu.memref_slice %arg3[%dma_start3A_24, %dma_start3A_25] : memref<100000x128xf32, #tpu.memory_space<hbm>> -> memref<100000x128xf32, #tpu.memory_space<hbm>>
    tpu.enqueue_indirect_dma source(%dma_start3A_26 : memref<100000x128xf32, #tpu.memory_space<hbm>>) target(%dma_start3A_21 : memref<16x128xf32, #tpu.memory_space<vmem>>) offsets(%dma_start3A_23 : memref<16xi32, #tpu.memory_space<vmem>>) semaphore(%arg10 : memref<!tpu.dma_semaphore, #tpu.memory_space<semaphore_mem>>)
    %dma_start3A_27 = arith.constant 16 : i32
    %dma_start3A_28 = arith.constant 0 : i32
    %dma_start3A_29 = tpu.memref_slice %arg7[%dma_start3A_27, %dma_start3A_28] : memref<512x128xf32, #tpu.memory_space<vmem>> -> memref<16x128xf32, #tpu.memory_space<vmem>>
    %dma_start3A_30 = arith.constant 16 : i32
    %dma_start3A_31 = tpu.memref_slice %arg6[%dma_start3A_30] : memref<512xi32, #tpu.memory_space<vmem>> -> memref<16xi32, #tpu.memory_space<vmem>>
    %dma_start3A_32 = arith.constant 0 : i32
    %dma_start3A_33 = arith.constant 0 : i32
    %dma_start3A_34 = tpu.memref_slice %arg3[%dma_start3A_32, %dma_start3A_33] : memref<100000x128xf32, #tpu.memory_space<hbm>> -> memref<100000x128xf32, #tpu.memory_space<hbm>>
    tpu.enqueue_indirect_dma source(%dma_start3A_34 : memref<100000x128xf32, #tpu.memory_space<hbm>>) target(%dma_start3A_29 : memref<16x128xf32, #tpu.memory_space<vmem>>) offsets(%dma_start3A_31 : memref<16xi32, #tpu.memory_space<vmem>>) semaphore(%arg10 : memref<!tpu.dma_semaphore, #tpu.memory_space<semaphore_mem>>)
    %dma_start3A_35 = arith.constant 32 : i32
    %dma_start3A_36 = arith.constant 0 : i32
    %dma_start3A_37 = tpu.memref_slice %arg7[%dma_start3A_35, %dma_start3A_36] : memref<512x128xf32, #tpu.memory_space<vmem>> -> memref<16x128xf32, #tpu.memory_space<vmem>>
    %dma_start3A_38 = arith.constant 32 : i32
    %dma_start3A_39 = tpu.memref_slice %arg6[%dma_start3A_38] : memref<512xi32, #tpu.memory_space<vmem>> -> memref<16xi32, #tpu.memory_space<vmem>>
    %dma_start3A_40 = arith.constant 0 : i32
    %dma_start3A_41 = arith.constant 0 : i32
    %dma_start3A_42 = tpu.memref_slice %arg3[%dma_start3A_40, %dma_start3A_41] : memref<100000x128xf32, #tpu.memory_space<hbm>> -> memref<100000x128xf32, #tpu.memory_space<hbm>>
    tpu.enqueue_indirect_dma source(%dma_start3A_42 : memref<100000x128xf32, #tpu.memory_space<hbm>>) target(%dma_start3A_37 : memref<16x128xf32, #tpu.memory_space<vmem>>) offsets(%dma_start3A_39 : memref<16xi32, #tpu.memory_space<vmem>>) semaphore(%arg10 : memref<!tpu.dma_semaphore, #tpu.memory_space<semaphore_mem>>)
    %dma_start3A_43 = arith.constant 48 : i32
    %dma_start3A_44 = arith.constant 0 : i32
    %dma_start3A_45 = tpu.memref_slice %arg7[%dma_start3A_43, %dma_start3A_44] : memref<512x128xf32, #tpu.memory_space<vmem>> -> memref<16x128xf32, #tpu.memory_space<vmem>>
    %dma_start3A_46 = arith.constant 48 : i32
    %dma_start3A_47 = tpu.memref_slice %arg6[%dma_start3A_46] : memref<512xi32, #tpu.memory_space<vmem>> -> memref<16xi32, #tpu.memory_space<vmem>>
    %dma_start3A_48 = arith.constant 0 : i32
    %dma_start3A_49 = arith.constant 0 : i32
    %dma_start3A_50 = tpu.memref_slice %arg3[%dma_start3A_48, %dma_start3A_49] : memref<100000x128xf32, #tpu.memory_space<hbm>> -> memref<100000x128xf32, #tpu.memory_space<hbm>>
    tpu.enqueue_indirect_dma source(%dma_start3A_50 : memref<100000x128xf32, #tpu.memory_space<hbm>>) target(%dma_start3A_45 : memref<16x128xf32, #tpu.memory_space<vmem>>) offsets(%dma_start3A_47 : memref<16xi32, #tpu.memory_space<vmem>>) semaphore(%arg10 : memref<!tpu.dma_semaphore, #tpu.memory_space<semaphore_mem>>)
    %dma_start3A_51 = arith.constant 64 : i32
    %dma_start3A_52 = arith.constant 0 : i32
    %dma_start3A_53 = tpu.memref_slice %arg7[%dma_start3A_51, %dma_start3A_52] : memref<512x128xf32, #tpu.memory_space<vmem>> -> memref<16x128xf32, #tpu.memory_space<vmem>>
    %dma_start3A_54 = arith.constant 64 : i32
    %dma_start3A_55 = tpu.memref_slice %arg6[%dma_start3A_54] : memref<512xi32, #tpu.memory_space<vmem>> -> memref<16xi32, #tpu.memory_space<vmem>>
    %dma_start3A_56 = arith.constant 0 : i32
    %dma_start3A_57 = arith.constant 0 : i32
    %dma_start3A_58 = tpu.memref_slice %arg3[%dma_start3A_56, %dma_start3A_57] : memref<100000x128xf32, #tpu.memory_space<hbm>> -> memref<100000x128xf32, #tpu.memory_space<hbm>>
    tpu.enqueue_indirect_dma source(%dma_start3A_58 : memref<100000x128xf32, #tpu.memory_space<hbm>>) target(%dma_start3A_53 : memref<16x128xf32, #tpu.memory_space<vmem>>) offsets(%dma_start3A_55 : memref<16xi32, #tpu.memory_space<vmem>>) semaphore(%arg10 : memref<!tpu.dma_semaphore, #tpu.memory_space<semaphore_mem>>)
    %dma_start3A_59 = arith.constant 80 : i32
    %dma_start3A_60 = arith.constant 0 : i32
    %dma_start3A_61 = tpu.memref_slice %arg7[%dma_start3A_59, %dma_start3A_60] : memref<512x128xf32, #tpu.memory_space<vmem>> -> memref<16x128xf32, #tpu.memory_space<vmem>>
    %dma_start3A_62 = arith.constant 80 : i32
    %dma_start3A_63 = tpu.memref_slice %arg6[%dma_start3A_62] : memref<512xi32, #tpu.memory_space<vmem>> -> memref<16xi32, #tpu.memory_space<vmem>>
    %dma_start3A_64 = arith.constant 0 : i32
    %dma_start3A_65 = arith.constant 0 : i32
    %dma_start3A_66 = tpu.memref_slice %arg3[%dma_start3A_64, %dma_start3A_65] : memref<100000x128xf32, #tpu.memory_space<hbm>> -> memref<100000x128xf32, #tpu.memory_space<hbm>>
    tpu.enqueue_indirect_dma source(%dma_start3A_66 : memref<100000x128xf32, #tpu.memory_space<hbm>>) target(%dma_start3A_61 : memref<16x128xf32, #tpu.memory_space<vmem>>) offsets(%dma_start3A_63 : memref<16xi32, #tpu.memory_space<vmem>>) semaphore(%arg10 : memref<!tpu.dma_semaphore, #tpu.memory_space<semaphore_mem>>)
    %dma_start3A_67 = arith.constant 96 : i32
    %dma_start3A_68 = arith.constant 0 : i32
    %dma_start3A_69 = tpu.memref_slice %arg7[%dma_start3A_67, %dma_start3A_68] : memref<512x128xf32, #tpu.memory_space<vmem>> -> memref<16x128xf32, #tpu.memory_space<vmem>>
    %dma_start3A_70 = arith.constant 96 : i32
    %dma_start3A_71 = tpu.memref_slice %arg6[%dma_start3A_70] : memref<512xi32, #tpu.memory_space<vmem>> -> memref<16xi32, #tpu.memory_space<vmem>>
    %dma_start3A_72 = arith.constant 0 : i32
    %dma_start3A_73 = arith.constant 0 : i32
    %dma_start3A_74 = tpu.memref_slice %arg3[%dma_start3A_72, %dma_start3A_73] : memref<100000x128xf32, #tpu.memory_space<hbm>> -> memref<100000x128xf32, #tpu.memory_space<hbm>>
    tpu.enqueue_indirect_dma source(%dma_start3A_74 : memref<100000x128xf32, #tpu.memory_space<hbm>>) target(%dma_start3A_69 : memref<16x128xf32, #tpu.memory_space<vmem>>) offsets(%dma_start3A_71 : memref<16xi32, #tpu.memory_space<vmem>>) semaphore(%arg10 : memref<!tpu.dma_semaphore, #tpu.memory_space<semaphore_mem>>)
    %dma_start3A_75 = arith.constant 112 : i32
    %dma_start3A_76 = arith.constant 0 : i32
    %dma_start3A_77 = tpu.memref_slice %arg7[%dma_start3A_75, %dma_start3A_76] : memref<512x128xf32, #tpu.memory_space<vmem>> -> memref<16x128xf32, #tpu.memory_space<vmem>>
    %dma_start3A_78 = arith.constant 112 : i32
    %dma_start3A_79 = tpu.memref_slice %arg6[%dma_start3A_78] : memref<512xi32, #tpu.memory_space<vmem>> -> memref<16xi32, #tpu.memory_space<vmem>>
    %dma_start3A_80 = arith.constant 0 : i32
    %dma_start3A_81 = arith.constant 0 : i32
    %dma_start3A_82 = tpu.memref_slice %arg3[%dma_start3A_80, %dma_start3A_81] : memref<100000x128xf32, #tpu.memory_space<hbm>> -> memref<100000x128xf32, #tpu.memory_space<hbm>>
    tpu.enqueue_indirect_dma source(%dma_start3A_82 : memref<100000x128xf32, #tpu.memory_space<hbm>>) target(%dma_start3A_77 : memref<16x128xf32, #tpu.memory_space<vmem>>) offsets(%dma_start3A_79 : memref<16xi32, #tpu.memory_space<vmem>>) semaphore(%arg10 : memref<!tpu.dma_semaphore, #tpu.memory_space<semaphore_mem>>)
    %dma_start3A_83 = arith.constant 128 : i32
    %dma_start3A_84 = arith.constant 0 : i32
    %dma_start3A_85 = tpu.memref_slice %arg7[%dma_start3A_83, %dma_start3A_84] : memref<512x128xf32, #tpu.memory_space<vmem>> -> memref<16x128xf32, #tpu.memory_space<vmem>>
    %dma_start3A_86 = arith.constant 128 : i32
    %dma_start3A_87 = tpu.memref_slice %arg6[%dma_start3A_86] : memref<512xi32, #tpu.memory_space<vmem>> -> memref<16xi32, #tpu.memory_space<vmem>>
    %dma_start3A_88 = arith.constant 0 : i32
    %dma_start3A_89 = arith.constant 0 : i32
    %dma_start3A_90 = tpu.memref_slice %arg3[%dma_start3A_88, %dma_start3A_89] : memref<100000x128xf32, #tpu.memory_space<hbm>> -> memref<100000x128xf32, #tpu.memory_space<hbm>>
    tpu.enqueue_indirect_dma source(%dma_start3A_90 : memref<100000x128xf32, #tpu.memory_space<hbm>>) target(%dma_start3A_85 : memref<16x128xf32, #tpu.memory_space<vmem>>) offsets(%dma_start3A_87 : memref<16xi32, #tpu.memory_space<vmem>>) semaphore(%arg10 : memref<!tpu.dma_semaphore, #tpu.memory_space<semaphore_mem>>)
    %dma_start3A_91 = arith.constant 144 : i32
    %dma_start3A_92 = arith.constant 0 : i32
    %dma_start3A_93 = tpu.memref_slice %arg7[%dma_start3A_91, %dma_start3A_92] : memref<512x128xf32, #tpu.memory_space<vmem>> -> memref<16x128xf32, #tpu.memory_space<vmem>>
    %dma_start3A_94 = arith.constant 144 : i32
    %dma_start3A_95 = tpu.memref_slice %arg6[%dma_start3A_94] : memref<512xi32, #tpu.memory_space<vmem>> -> memref<16xi32, #tpu.memory_space<vmem>>
    %dma_start3A_96 = arith.constant 0 : i32
    %dma_start3A_97 = arith.constant 0 : i32
    %dma_start3A_98 = tpu.memref_slice %arg3[%dma_start3A_96, %dma_start3A_97] : memref<100000x128xf32, #tpu.memory_space<hbm>> -> memref<100000x128xf32, #tpu.memory_space<hbm>>
    tpu.enqueue_indirect_dma source(%dma_start3A_98 : memref<100000x128xf32, #tpu.memory_space<hbm>>) target(%dma_start3A_93 : memref<16x128xf32, #tpu.memory_space<vmem>>) offsets(%dma_start3A_95 : memref<16xi32, #tpu.memory_space<vmem>>) semaphore(%arg10 : memref<!tpu.dma_semaphore, #tpu.memory_space<semaphore_mem>>)
    %dma_start3A_99 = arith.constant 160 : i32
    %dma_start3A_100 = arith.constant 0 : i32
    %dma_start3A_101 = tpu.memref_slice %arg7[%dma_start3A_99, %dma_start3A_100] : memref<512x128xf32, #tpu.memory_space<vmem>> -> memref<16x128xf32, #tpu.memory_space<vmem>>
    %dma_start3A_102 = arith.constant 160 : i32
    %dma_start3A_103 = tpu.memref_slice %arg6[%dma_start3A_102] : memref<512xi32, #tpu.memory_space<vmem>> -> memref<16xi32, #tpu.memory_space<vmem>>
    %dma_start3A_104 = arith.constant 0 : i32
    %dma_start3A_105 = arith.constant 0 : i32
    %dma_start3A_106 = tpu.memref_slice %arg3[%dma_start3A_104, %dma_start3A_105] : memref<100000x128xf32, #tpu.memory_space<hbm>> -> memref<100000x128xf32, #tpu.memory_space<hbm>>
    tpu.enqueue_indirect_dma source(%dma_start3A_106 : memref<100000x128xf32, #tpu.memory_space<hbm>>) target(%dma_start3A_101 : memref<16x128xf32, #tpu.memory_space<vmem>>) offsets(%dma_start3A_103 : memref<16xi32, #tpu.memory_space<vmem>>) semaphore(%arg10 : memref<!tpu.dma_semaphore, #tpu.memory_space<semaphore_mem>>)
    %dma_start3A_107 = arith.constant 176 : i32
    %dma_start3A_108 = arith.constant 0 : i32
    %dma_start3A_109 = tpu.memref_slice %arg7[%dma_start3A_107, %dma_start3A_108] : memref<512x128xf32, #tpu.memory_space<vmem>> -> memref<16x128xf32, #tpu.memory_space<vmem>>
    %dma_start3A_110 = arith.constant 176 : i32
    %dma_start3A_111 = tpu.memref_slice %arg6[%dma_start3A_110] : memref<512xi32, #tpu.memory_space<vmem>> -> memref<16xi32, #tpu.memory_space<vmem>>
    %dma_start3A_112 = arith.constant 0 : i32
    %dma_start3A_113 = arith.constant 0 : i32
    %dma_start3A_114 = tpu.memref_slice %arg3[%dma_start3A_112, %dma_start3A_113] : memref<100000x128xf32, #tpu.memory_space<hbm>> -> memref<100000x128xf32, #tpu.memory_space<hbm>>
    tpu.enqueue_indirect_dma source(%dma_start3A_114 : memref<100000x128xf32, #tpu.memory_space<hbm>>) target(%dma_start3A_109 : memref<16x128xf32, #tpu.memory_space<vmem>>) offsets(%dma_start3A_111 : memref<16xi32, #tpu.memory_space<vmem>>) semaphore(%arg10 : memref<!tpu.dma_semaphore, #tpu.memory_space<semaphore_mem>>)
    %dma_start3A_115 = arith.constant 192 : i32
    %dma_start3A_116 = arith.constant 0 : i32
    %dma_start3A_117 = tpu.memref_slice %arg7[%dma_start3A_115, %dma_start3A_116] : memref<512x128xf32, #tpu.memory_space<vmem>> -> memref<16x128xf32, #tpu.memory_space<vmem>>
    %dma_start3A_118 = arith.constant 192 : i32
    %dma_start3A_119 = tpu.memref_slice %arg6[%dma_start3A_118] : memref<512xi32, #tpu.memory_space<vmem>> -> memref<16xi32, #tpu.memory_space<vmem>>
    %dma_start3A_120 = arith.constant 0 : i32
    %dma_start3A_121 = arith.constant 0 : i32
    %dma_start3A_122 = tpu.memref_slice %arg3[%dma_start3A_120, %dma_start3A_121] : memref<100000x128xf32, #tpu.memory_space<hbm>> -> memref<100000x128xf32, #tpu.memory_space<hbm>>
    tpu.enqueue_indirect_dma source(%dma_start3A_122 : memref<100000x128xf32, #tpu.memory_space<hbm>>) target(%dma_start3A_117 : memref<16x128xf32, #tpu.memory_space<vmem>>) offsets(%dma_start3A_119 : memref<16xi32, #tpu.memory_space<vmem>>) semaphore(%arg10 : memref<!tpu.dma_semaphore, #tpu.memory_space<semaphore_mem>>)
    %dma_start3A_123 = arith.constant 208 : i32
    %dma_start3A_124 = arith.constant 0 : i32
    %dma_start3A_125 = tpu.memref_slice %arg7[%dma_start3A_123, %dma_start3A_124] : memref<512x128xf32, #tpu.memory_space<vmem>> -> memref<16x128xf32, #tpu.memory_space<vmem>>
    %dma_start3A_126 = arith.constant 208 : i32
    %dma_start3A_127 = tpu.memref_slice %arg6[%dma_start3A_126] : memref<512xi32, #tpu.memory_space<vmem>> -> memref<16xi32, #tpu.memory_space<vmem>>
    %dma_start3A_128 = arith.constant 0 : i32
    %dma_start3A_129 = arith.constant 0 : i32
    %dma_start3A_130 = tpu.memref_slice %arg3[%dma_start3A_128, %dma_start3A_129] : memref<100000x128xf32, #tpu.memory_space<hbm>> -> memref<100000x128xf32, #tpu.memory_space<hbm>>
    tpu.enqueue_indirect_dma source(%dma_start3A_130 : memref<100000x128xf32, #tpu.memory_space<hbm>>) target(%dma_start3A_125 : memref<16x128xf32, #tpu.memory_space<vmem>>) offsets(%dma_start3A_127 : memref<16xi32, #tpu.memory_space<vmem>>) semaphore(%arg10 : memref<!tpu.dma_semaphore, #tpu.memory_space<semaphore_mem>>)
    %dma_start3A_131 = arith.constant 224 : i32
    %dma_start3A_132 = arith.constant 0 : i32
    %dma_start3A_133 = tpu.memref_slice %arg7[%dma_start3A_131, %dma_start3A_132] : memref<512x128xf32, #tpu.memory_space<vmem>> -> memref<16x128xf32, #tpu.memory_space<vmem>>
    %dma_start3A_134 = arith.constant 224 : i32
    %dma_start3A_135 = tpu.memref_slice %arg6[%dma_start3A_134] : memref<512xi32, #tpu.memory_space<vmem>> -> memref<16xi32, #tpu.memory_space<vmem>>
    %dma_start3A_136 = arith.constant 0 : i32
    %dma_start3A_137 = arith.constant 0 : i32
    %dma_start3A_138 = tpu.memref_slice %arg3[%dma_start3A_136, %dma_start3A_137] : memref<100000x128xf32, #tpu.memory_space<hbm>> -> memref<100000x128xf32, #tpu.memory_space<hbm>>
    tpu.enqueue_indirect_dma source(%dma_start3A_138 : memref<100000x128xf32, #tpu.memory_space<hbm>>) target(%dma_start3A_133 : memref<16x128xf32, #tpu.memory_space<vmem>>) offsets(%dma_start3A_135 : memref<16xi32, #tpu.memory_space<vmem>>) semaphore(%arg10 : memref<!tpu.dma_semaphore, #tpu.memory_space<semaphore_mem>>)
    %dma_start3A_139 = arith.constant 240 : i32
    %dma_start3A_140 = arith.constant 0 : i32
    %dma_start3A_141 = tpu.memref_slice %arg7[%dma_start3A_139, %dma_start3A_140] : memref<512x128xf32, #tpu.memory_space<vmem>> -> memref<16x128xf32, #tpu.memory_space<vmem>>
    %dma_start3A_142 = arith.constant 240 : i32
    %dma_start3A_143 = tpu.memref_slice %arg6[%dma_start3A_142] : memref<512xi32, #tpu.memory_space<vmem>> -> memref<16xi32, #tpu.memory_space<vmem>>
    %dma_start3A_144 = arith.constant 0 : i32
    %dma_start3A_145 = arith.constant 0 : i32
    %dma_start3A_146 = tpu.memref_slice %arg3[%dma_start3A_144, %dma_start3A_145] : memref<100000x128xf32, #tpu.memory_space<hbm>> -> memref<100000x128xf32, #tpu.memory_space<hbm>>
    tpu.enqueue_indirect_dma source(%dma_start3A_146 : memref<100000x128xf32, #tpu.memory_space<hbm>>) target(%dma_start3A_141 : memref<16x128xf32, #tpu.memory_space<vmem>>) offsets(%dma_start3A_143 : memref<16xi32, #tpu.memory_space<vmem>>) semaphore(%arg10 : memref<!tpu.dma_semaphore, #tpu.memory_space<semaphore_mem>>)
    %dma_start3A_147 = arith.constant 256 : i32
    %dma_start3A_148 = arith.constant 0 : i32
    %dma_start3A_149 = tpu.memref_slice %arg7[%dma_start3A_147, %dma_start3A_148] : memref<512x128xf32, #tpu.memory_space<vmem>> -> memref<16x128xf32, #tpu.memory_space<vmem>>
    %dma_start3A_150 = arith.constant 256 : i32
    %dma_start3A_151 = tpu.memref_slice %arg6[%dma_start3A_150] : memref<512xi32, #tpu.memory_space<vmem>> -> memref<16xi32, #tpu.memory_space<vmem>>
    %dma_start3A_152 = arith.constant 0 : i32
    %dma_start3A_153 = arith.constant 0 : i32
    %dma_start3A_154 = tpu.memref_slice %arg3[%dma_start3A_152, %dma_start3A_153] : memref<100000x128xf32, #tpu.memory_space<hbm>> -> memref<100000x128xf32, #tpu.memory_space<hbm>>
    tpu.enqueue_indirect_dma source(%dma_start3A_154 : memref<100000x128xf32, #tpu.memory_space<hbm>>) target(%dma_start3A_149 : memref<16x128xf32, #tpu.memory_space<vmem>>) offsets(%dma_start3A_151 : memref<16xi32, #tpu.memory_space<vmem>>) semaphore(%arg10 : memref<!tpu.dma_semaphore, #tpu.memory_space<semaphore_mem>>)
    %dma_start3A_155 = arith.constant 272 : i32
    %dma_start3A_156 = arith.constant 0 : i32
    %dma_start3A_157 = tpu.memref_slice %arg7[%dma_start3A_155, %dma_start3A_156] : memref<512x128xf32, #tpu.memory_space<vmem>> -> memref<16x128xf32, #tpu.memory_space<vmem>>
    %dma_start3A_158 = arith.constant 272 : i32
    %dma_start3A_159 = tpu.memref_slice %arg6[%dma_start3A_158] : memref<512xi32, #tpu.memory_space<vmem>> -> memref<16xi32, #tpu.memory_space<vmem>>
    %dma_start3A_160 = arith.constant 0 : i32
    %dma_start3A_161 = arith.constant 0 : i32
    %dma_start3A_162 = tpu.memref_slice %arg3[%dma_start3A_160, %dma_start3A_161] : memref<100000x128xf32, #tpu.memory_space<hbm>> -> memref<100000x128xf32, #tpu.memory_space<hbm>>
    tpu.enqueue_indirect_dma source(%dma_start3A_162 : memref<100000x128xf32, #tpu.memory_space<hbm>>) target(%dma_start3A_157 : memref<16x128xf32, #tpu.memory_space<vmem>>) offsets(%dma_start3A_159 : memref<16xi32, #tpu.memory_space<vmem>>) semaphore(%arg10 : memref<!tpu.dma_semaphore, #tpu.memory_space<semaphore_mem>>)
    %dma_start3A_163 = arith.constant 288 : i32
    %dma_start3A_164 = arith.constant 0 : i32
    %dma_start3A_165 = tpu.memref_slice %arg7[%dma_start3A_163, %dma_start3A_164] : memref<512x128xf32, #tpu.memory_space<vmem>> -> memref<16x128xf32, #tpu.memory_space<vmem>>
    %dma_start3A_166 = arith.constant 288 : i32
    %dma_start3A_167 = tpu.memref_slice %arg6[%dma_start3A_166] : memref<512xi32, #tpu.memory_space<vmem>> -> memref<16xi32, #tpu.memory_space<vmem>>
    %dma_start3A_168 = arith.constant 0 : i32
    %dma_start3A_169 = arith.constant 0 : i32
    %dma_start3A_170 = tpu.memref_slice %arg3[%dma_start3A_168, %dma_start3A_169] : memref<100000x128xf32, #tpu.memory_space<hbm>> -> memref<100000x128xf32, #tpu.memory_space<hbm>>
    tpu.enqueue_indirect_dma source(%dma_start3A_170 : memref<100000x128xf32, #tpu.memory_space<hbm>>) target(%dma_start3A_165 : memref<16x128xf32, #tpu.memory_space<vmem>>) offsets(%dma_start3A_167 : memref<16xi32, #tpu.memory_space<vmem>>) semaphore(%arg10 : memref<!tpu.dma_semaphore, #tpu.memory_space<semaphore_mem>>)
    %dma_start3A_171 = arith.constant 304 : i32
    %dma_start3A_172 = arith.constant 0 : i32
    %dma_start3A_173 = tpu.memref_slice %arg7[%dma_start3A_171, %dma_start3A_172] : memref<512x128xf32, #tpu.memory_space<vmem>> -> memref<16x128xf32, #tpu.memory_space<vmem>>
    %dma_start3A_174 = arith.constant 304 : i32
    %dma_start3A_175 = tpu.memref_slice %arg6[%dma_start3A_174] : memref<512xi32, #tpu.memory_space<vmem>> -> memref<16xi32, #tpu.memory_space<vmem>>
    %dma_start3A_176 = arith.constant 0 : i32
    %dma_start3A_177 = arith.constant 0 : i32
    %dma_start3A_178 = tpu.memref_slice %arg3[%dma_start3A_176, %dma_start3A_177] : memref<100000x128xf32, #tpu.memory_space<hbm>> -> memref<100000x128xf32, #tpu.memory_space<hbm>>
    tpu.enqueue_indirect_dma source(%dma_start3A_178 : memref<100000x128xf32, #tpu.memory_space<hbm>>) target(%dma_start3A_173 : memref<16x128xf32, #tpu.memory_space<vmem>>) offsets(%dma_start3A_175 : memref<16xi32, #tpu.memory_space<vmem>>) semaphore(%arg10 : memref<!tpu.dma_semaphore, #tpu.memory_space<semaphore_mem>>)
    %dma_start3A_179 = arith.constant 320 : i32
    %dma_start3A_180 = arith.constant 0 : i32
    %dma_start3A_181 = tpu.memref_slice %arg7[%dma_start3A_179, %dma_start3A_180] : memref<512x128xf32, #tpu.memory_space<vmem>> -> memref<16x128xf32, #tpu.memory_space<vmem>>
    %dma_start3A_182 = arith.constant 320 : i32
    %dma_start3A_183 = tpu.memref_slice %arg6[%dma_start3A_182] : memref<512xi32, #tpu.memory_space<vmem>> -> memref<16xi32, #tpu.memory_space<vmem>>
    %dma_start3A_184 = arith.constant 0 : i32
    %dma_start3A_185 = arith.constant 0 : i32
    %dma_start3A_186 = tpu.memref_slice %arg3[%dma_start3A_184, %dma_start3A_185] : memref<100000x128xf32, #tpu.memory_space<hbm>> -> memref<100000x128xf32, #tpu.memory_space<hbm>>
    tpu.enqueue_indirect_dma source(%dma_start3A_186 : memref<100000x128xf32, #tpu.memory_space<hbm>>) target(%dma_start3A_181 : memref<16x128xf32, #tpu.memory_space<vmem>>) offsets(%dma_start3A_183 : memref<16xi32, #tpu.memory_space<vmem>>) semaphore(%arg10 : memref<!tpu.dma_semaphore, #tpu.memory_space<semaphore_mem>>)
    %dma_start3A_187 = arith.constant 336 : i32
    %dma_start3A_188 = arith.constant 0 : i32
    %dma_start3A_189 = tpu.memref_slice %arg7[%dma_start3A_187, %dma_start3A_188] : memref<512x128xf32, #tpu.memory_space<vmem>> -> memref<16x128xf32, #tpu.memory_space<vmem>>
    %dma_start3A_190 = arith.constant 336 : i32
    %dma_start3A_191 = tpu.memref_slice %arg6[%dma_start3A_190] : memref<512xi32, #tpu.memory_space<vmem>> -> memref<16xi32, #tpu.memory_space<vmem>>
    %dma_start3A_192 = arith.constant 0 : i32
    %dma_start3A_193 = arith.constant 0 : i32
    %dma_start3A_194 = tpu.memref_slice %arg3[%dma_start3A_192, %dma_start3A_193] : memref<100000x128xf32, #tpu.memory_space<hbm>> -> memref<100000x128xf32, #tpu.memory_space<hbm>>
    tpu.enqueue_indirect_dma source(%dma_start3A_194 : memref<100000x128xf32, #tpu.memory_space<hbm>>) target(%dma_start3A_189 : memref<16x128xf32, #tpu.memory_space<vmem>>) offsets(%dma_start3A_191 : memref<16xi32, #tpu.memory_space<vmem>>) semaphore(%arg10 : memref<!tpu.dma_semaphore, #tpu.memory_space<semaphore_mem>>)
    %dma_start3A_195 = arith.constant 352 : i32
    %dma_start3A_196 = arith.constant 0 : i32
    %dma_start3A_197 = tpu.memref_slice %arg7[%dma_start3A_195, %dma_start3A_196] : memref<512x128xf32, #tpu.memory_space<vmem>> -> memref<16x128xf32, #tpu.memory_space<vmem>>
    %dma_start3A_198 = arith.constant 352 : i32
    %dma_start3A_199 = tpu.memref_slice %arg6[%dma_start3A_198] : memref<512xi32, #tpu.memory_space<vmem>> -> memref<16xi32, #tpu.memory_space<vmem>>
    %dma_start3A_200 = arith.constant 0 : i32
    %dma_start3A_201 = arith.constant 0 : i32
    %dma_start3A_202 = tpu.memref_slice %arg3[%dma_start3A_200, %dma_start3A_201] : memref<100000x128xf32, #tpu.memory_space<hbm>> -> memref<100000x128xf32, #tpu.memory_space<hbm>>
    tpu.enqueue_indirect_dma source(%dma_start3A_202 : memref<100000x128xf32, #tpu.memory_space<hbm>>) target(%dma_start3A_197 : memref<16x128xf32, #tpu.memory_space<vmem>>) offsets(%dma_start3A_199 : memref<16xi32, #tpu.memory_space<vmem>>) semaphore(%arg10 : memref<!tpu.dma_semaphore, #tpu.memory_space<semaphore_mem>>)
    %dma_start3A_203 = arith.constant 368 : i32
    %dma_start3A_204 = arith.constant 0 : i32
    %dma_start3A_205 = tpu.memref_slice %arg7[%dma_start3A_203, %dma_start3A_204] : memref<512x128xf32, #tpu.memory_space<vmem>> -> memref<16x128xf32, #tpu.memory_space<vmem>>
    %dma_start3A_206 = arith.constant 368 : i32
    %dma_start3A_207 = tpu.memref_slice %arg6[%dma_start3A_206] : memref<512xi32, #tpu.memory_space<vmem>> -> memref<16xi32, #tpu.memory_space<vmem>>
    %dma_start3A_208 = arith.constant 0 : i32
    %dma_start3A_209 = arith.constant 0 : i32
    %dma_start3A_210 = tpu.memref_slice %arg3[%dma_start3A_208, %dma_start3A_209] : memref<100000x128xf32, #tpu.memory_space<hbm>> -> memref<100000x128xf32, #tpu.memory_space<hbm>>
    tpu.enqueue_indirect_dma source(%dma_start3A_210 : memref<100000x128xf32, #tpu.memory_space<hbm>>) target(%dma_start3A_205 : memref<16x128xf32, #tpu.memory_space<vmem>>) offsets(%dma_start3A_207 : memref<16xi32, #tpu.memory_space<vmem>>) semaphore(%arg10 : memref<!tpu.dma_semaphore, #tpu.memory_space<semaphore_mem>>)
    %dma_start3A_211 = arith.constant 384 : i32
    %dma_start3A_212 = arith.constant 0 : i32
    %dma_start3A_213 = tpu.memref_slice %arg7[%dma_start3A_211, %dma_start3A_212] : memref<512x128xf32, #tpu.memory_space<vmem>> -> memref<16x128xf32, #tpu.memory_space<vmem>>
    %dma_start3A_214 = arith.constant 384 : i32
    %dma_start3A_215 = tpu.memref_slice %arg6[%dma_start3A_214] : memref<512xi32, #tpu.memory_space<vmem>> -> memref<16xi32, #tpu.memory_space<vmem>>
    %dma_start3A_216 = arith.constant 0 : i32
    %dma_start3A_217 = arith.constant 0 : i32
    %dma_start3A_218 = tpu.memref_slice %arg3[%dma_start3A_216, %dma_start3A_217] : memref<100000x128xf32, #tpu.memory_space<hbm>> -> memref<100000x128xf32, #tpu.memory_space<hbm>>
    tpu.enqueue_indirect_dma source(%dma_start3A_218 : memref<100000x128xf32, #tpu.memory_space<hbm>>) target(%dma_start3A_213 : memref<16x128xf32, #tpu.memory_space<vmem>>) offsets(%dma_start3A_215 : memref<16xi32, #tpu.memory_space<vmem>>) semaphore(%arg10 : memref<!tpu.dma_semaphore, #tpu.memory_space<semaphore_mem>>)
    %dma_start3A_219 = arith.constant 400 : i32
    %dma_start3A_220 = arith.constant 0 : i32
    %dma_start3A_221 = tpu.memref_slice %arg7[%dma_start3A_219, %dma_start3A_220] : memref<512x128xf32, #tpu.memory_space<vmem>> -> memref<16x128xf32, #tpu.memory_space<vmem>>
    %dma_start3A_222 = arith.constant 400 : i32
    %dma_start3A_223 = tpu.memref_slice %arg6[%dma_start3A_222] : memref<512xi32, #tpu.memory_space<vmem>> -> memref<16xi32, #tpu.memory_space<vmem>>
    %dma_start3A_224 = arith.constant 0 : i32
    %dma_start3A_225 = arith.constant 0 : i32
    %dma_start3A_226 = tpu.memref_slice %arg3[%dma_start3A_224, %dma_start3A_225] : memref<100000x128xf32, #tpu.memory_space<hbm>> -> memref<100000x128xf32, #tpu.memory_space<hbm>>
    tpu.enqueue_indirect_dma source(%dma_start3A_226 : memref<100000x128xf32, #tpu.memory_space<hbm>>) target(%dma_start3A_221 : memref<16x128xf32, #tpu.memory_space<vmem>>) offsets(%dma_start3A_223 : memref<16xi32, #tpu.memory_space<vmem>>) semaphore(%arg10 : memref<!tpu.dma_semaphore, #tpu.memory_space<semaphore_mem>>)
    %dma_start3A_227 = arith.constant 416 : i32
    %dma_start3A_228 = arith.constant 0 : i32
    %dma_start3A_229 = tpu.memref_slice %arg7[%dma_start3A_227, %dma_start3A_228] : memref<512x128xf32, #tpu.memory_space<vmem>> -> memref<16x128xf32, #tpu.memory_space<vmem>>
    %dma_start3A_230 = arith.constant 416 : i32
    %dma_start3A_231 = tpu.memref_slice %arg6[%dma_start3A_230] : memref<512xi32, #tpu.memory_space<vmem>> -> memref<16xi32, #tpu.memory_space<vmem>>
    %dma_start3A_232 = arith.constant 0 : i32
    %dma_start3A_233 = arith.constant 0 : i32
    %dma_start3A_234 = tpu.memref_slice %arg3[%dma_start3A_232, %dma_start3A_233] : memref<100000x128xf32, #tpu.memory_space<hbm>> -> memref<100000x128xf32, #tpu.memory_space<hbm>>
    tpu.enqueue_indirect_dma source(%dma_start3A_234 : memref<100000x128xf32, #tpu.memory_space<hbm>>) target(%dma_start3A_229 : memref<16x128xf32, #tpu.memory_space<vmem>>) offsets(%dma_start3A_231 : memref<16xi32, #tpu.memory_space<vmem>>) semaphore(%arg10 : memref<!tpu.dma_semaphore, #tpu.memory_space<semaphore_mem>>)
    %dma_start3A_235 = arith.constant 432 : i32
    %dma_start3A_236 = arith.constant 0 : i32
    %dma_start3A_237 = tpu.memref_slice %arg7[%dma_start3A_235, %dma_start3A_236] : memref<512x128xf32, #tpu.memory_space<vmem>> -> memref<16x128xf32, #tpu.memory_space<vmem>>
    %dma_start3A_238 = arith.constant 432 : i32
    %dma_start3A_239 = tpu.memref_slice %arg6[%dma_start3A_238] : memref<512xi32, #tpu.memory_space<vmem>> -> memref<16xi32, #tpu.memory_space<vmem>>
    %dma_start3A_240 = arith.constant 0 : i32
    %dma_start3A_241 = arith.constant 0 : i32
    %dma_start3A_242 = tpu.memref_slice %arg3[%dma_start3A_240, %dma_start3A_241] : memref<100000x128xf32, #tpu.memory_space<hbm>> -> memref<100000x128xf32, #tpu.memory_space<hbm>>
    tpu.enqueue_indirect_dma source(%dma_start3A_242 : memref<100000x128xf32, #tpu.memory_space<hbm>>) target(%dma_start3A_237 : memref<16x128xf32, #tpu.memory_space<vmem>>) offsets(%dma_start3A_239 : memref<16xi32, #tpu.memory_space<vmem>>) semaphore(%arg10 : memref<!tpu.dma_semaphore, #tpu.memory_space<semaphore_mem>>)
    %dma_start3A_243 = arith.constant 448 : i32
    %dma_start3A_244 = arith.constant 0 : i32
    %dma_start3A_245 = tpu.memref_slice %arg7[%dma_start3A_243, %dma_start3A_244] : memref<512x128xf32, #tpu.memory_space<vmem>> -> memref<16x128xf32, #tpu.memory_space<vmem>>
    %dma_start3A_246 = arith.constant 448 : i32
    %dma_start3A_247 = tpu.memref_slice %arg6[%dma_start3A_246] : memref<512xi32, #tpu.memory_space<vmem>> -> memref<16xi32, #tpu.memory_space<vmem>>
    %dma_start3A_248 = arith.constant 0 : i32
    %dma_start3A_249 = arith.constant 0 : i32
    %dma_start3A_250 = tpu.memref_slice %arg3[%dma_start3A_248, %dma_start3A_249] : memref<100000x128xf32, #tpu.memory_space<hbm>> -> memref<100000x128xf32, #tpu.memory_space<hbm>>
    tpu.enqueue_indirect_dma source(%dma_start3A_250 : memref<100000x128xf32, #tpu.memory_space<hbm>>) target(%dma_start3A_245 : memref<16x128xf32, #tpu.memory_space<vmem>>) offsets(%dma_start3A_247 : memref<16xi32, #tpu.memory_space<vmem>>) semaphore(%arg10 : memref<!tpu.dma_semaphore, #tpu.memory_space<semaphore_mem>>)
    %dma_start3A_251 = arith.constant 464 : i32
    %dma_start3A_252 = arith.constant 0 : i32
    %dma_start3A_253 = tpu.memref_slice %arg7[%dma_start3A_251, %dma_start3A_252] : memref<512x128xf32, #tpu.memory_space<vmem>> -> memref<16x128xf32, #tpu.memory_space<vmem>>
    %dma_start3A_254 = arith.constant 464 : i32
    %dma_start3A_255 = tpu.memref_slice %arg6[%dma_start3A_254] : memref<512xi32, #tpu.memory_space<vmem>> -> memref<16xi32, #tpu.memory_space<vmem>>
    %dma_start3A_256 = arith.constant 0 : i32
    %dma_start3A_257 = arith.constant 0 : i32
    %dma_start3A_258 = tpu.memref_slice %arg3[%dma_start3A_256, %dma_start3A_257] : memref<100000x128xf32, #tpu.memory_space<hbm>> -> memref<100000x128xf32, #tpu.memory_space<hbm>>
    tpu.enqueue_indirect_dma source(%dma_start3A_258 : memref<100000x128xf32, #tpu.memory_space<hbm>>) target(%dma_start3A_253 : memref<16x128xf32, #tpu.memory_space<vmem>>) offsets(%dma_start3A_255 : memref<16xi32, #tpu.memory_space<vmem>>) semaphore(%arg10 : memref<!tpu.dma_semaphore, #tpu.memory_space<semaphore_mem>>)
    %dma_start3A_259 = arith.constant 480 : i32
    %dma_start3A_260 = arith.constant 0 : i32
    %dma_start3A_261 = tpu.memref_slice %arg7[%dma_start3A_259, %dma_start3A_260] : memref<512x128xf32, #tpu.memory_space<vmem>> -> memref<16x128xf32, #tpu.memory_space<vmem>>
    %dma_start3A_262 = arith.constant 480 : i32
    %dma_start3A_263 = tpu.memref_slice %arg6[%dma_start3A_262] : memref<512xi32, #tpu.memory_space<vmem>> -> memref<16xi32, #tpu.memory_space<vmem>>
    %dma_start3A_264 = arith.constant 0 : i32
    %dma_start3A_265 = arith.constant 0 : i32
    %dma_start3A_266 = tpu.memref_slice %arg3[%dma_start3A_264, %dma_start3A_265] : memref<100000x128xf32, #tpu.memory_space<hbm>> -> memref<100000x128xf32, #tpu.memory_space<hbm>>
    tpu.enqueue_indirect_dma source(%dma_start3A_266 : memref<100000x128xf32, #tpu.memory_space<hbm>>) target(%dma_start3A_261 : memref<16x128xf32, #tpu.memory_space<vmem>>) offsets(%dma_start3A_263 : memref<16xi32, #tpu.memory_space<vmem>>) semaphore(%arg10 : memref<!tpu.dma_semaphore, #tpu.memory_space<semaphore_mem>>)
    %dma_start3A_267 = arith.constant 496 : i32
    %dma_start3A_268 = arith.constant 0 : i32
    %dma_start3A_269 = tpu.memref_slice %arg7[%dma_start3A_267, %dma_start3A_268] : memref<512x128xf32, #tpu.memory_space<vmem>> -> memref<16x128xf32, #tpu.memory_space<vmem>>
    %dma_start3A_270 = arith.constant 496 : i32
    %dma_start3A_271 = tpu.memref_slice %arg6[%dma_start3A_270] : memref<512xi32, #tpu.memory_space<vmem>> -> memref<16xi32, #tpu.memory_space<vmem>>
    %dma_start3A_272 = arith.constant 0 : i32
    %dma_start3A_273 = arith.constant 0 : i32
    %dma_start3A_274 = tpu.memref_slice %arg3[%dma_start3A_272, %dma_start3A_273] : memref<100000x128xf32, #tpu.memory_space<hbm>> -> memref<100000x128xf32, #tpu.memory_space<hbm>>
    tpu.enqueue_indirect_dma source(%dma_start3A_274 : memref<100000x128xf32, #tpu.memory_space<hbm>>) target(%dma_start3A_269 : memref<16x128xf32, #tpu.memory_space<vmem>>) offsets(%dma_start3A_271 : memref<16xi32, #tpu.memory_space<vmem>>) semaphore(%arg10 : memref<!tpu.dma_semaphore, #tpu.memory_space<semaphore_mem>>)
    %get3A = arith.constant 0 : index
    %get3A_275 = tpu.vector_load %arg8[%get3A] {strides = array<i32>} : memref<128xf32, #tpu.memory_space<vmem>>, vector<16xf32>,
    %get3A_276 = arith.constant 16 : index
    %get3A_277 = tpu.vector_load %arg8[%get3A_276] {strides = array<i32>} : memref<128xf32, #tpu.memory_space<vmem>>, vector<16xf32>,
    %get3A_278 = arith.constant 32 : index
    %get3A_279 = tpu.vector_load %arg8[%get3A_278] {strides = array<i32>} : memref<128xf32, #tpu.memory_space<vmem>>, vector<16xf32>,
    %get3A_280 = arith.constant 48 : index
    %get3A_281 = tpu.vector_load %arg8[%get3A_280] {strides = array<i32>} : memref<128xf32, #tpu.memory_space<vmem>>, vector<16xf32>,
    %get3A_282 = arith.constant 64 : index
    %get3A_283 = tpu.vector_load %arg8[%get3A_282] {strides = array<i32>} : memref<128xf32, #tpu.memory_space<vmem>>, vector<16xf32>,
    %get3A_284 = arith.constant 80 : index
    %get3A_285 = tpu.vector_load %arg8[%get3A_284] {strides = array<i32>} : memref<128xf32, #tpu.memory_space<vmem>>, vector<16xf32>,
    %get3A_286 = arith.constant 96 : index
    %get3A_287 = tpu.vector_load %arg8[%get3A_286] {strides = array<i32>} : memref<128xf32, #tpu.memory_space<vmem>>, vector<16xf32>,
    %get3A_288 = arith.constant 112 : index
    %get3A_289 = tpu.vector_load %arg8[%get3A_288] {strides = array<i32>} : memref<128xf32, #tpu.memory_space<vmem>>, vector<16xf32>,
    %iota3A = tpu.iota {dimensions = array<i32: 0>} : vector<16xi32>
    %scan3A = arith.constant 0 : i32
    %scan3A_290 = arith.constant 0 : i32
    %scan3A_291 = arith.constant 32 : i32
    %scan3A_292 = arith.addi %scan3A_290, %scan3A_291 : i32
    %scan3A_293 = arith.constant 1 : i32
    scf.for %scan3A_295 = %scan3A_290 to %scan3A_292 step %scan3A_293  : i32 {
      %dma_wait3A_296 = arith.constant 0 : i32
      %dma_wait3A_297 = arith.constant 0 : i32
      %dma_wait3A_298 = tpu.memref_slice %arg7[%dma_wait3A_296, %dma_wait3A_297] : memref<512x128xf32, #tpu.memory_space<vmem>> -> memref<16x128xf32, #tpu.memory_space<vmem>>
      %dma_wait3A_299 = arith.constant 0 : i32
      %dma_wait3A_300 = arith.constant 0 : i32
      %dma_wait3A_301 = tpu.memref_slice %arg3[%dma_wait3A_299, %dma_wait3A_300] : memref<100000x128xf32, #tpu.memory_space<hbm>> -> memref<16x128xf32, #tpu.memory_space<hbm>>
      %dma_wait3A_302 = arith.constant 0 : i32
      %dma_wait3A_303 = arith.constant 0 : i32
      %dma_wait3A_304 = tpu.memref_slice %arg7[%dma_wait3A_302, %dma_wait3A_303] : memref<512x128xf32, #tpu.memory_space<vmem>> -> memref<16x128xf32, #tpu.memory_space<vmem>>
      %dma_wait3A_305 = arith.constant 0 : i32
      %dma_wait3A_306 = arith.constant 0 : i32
      %dma_wait3A_307 = tpu.memref_slice %arg3[%dma_wait3A_305, %dma_wait3A_306] : memref<100000x128xf32, #tpu.memory_space<hbm>> -> memref<16x128xf32, #tpu.memory_space<hbm>>
      tpu.wait_dma2 semaphore(%arg10 : memref<!tpu.dma_semaphore, #tpu.memory_space<semaphore_mem>>) src(%dma_wait3A_307 : memref<16x128xf32, #tpu.memory_space<hbm>>) dst(%dma_wait3A_304 : memref<16x128xf32, #tpu.memory_space<vmem>>)
      %mul3A_308 = arith.constant 16 : i32
      %mul3A_309 = arith.muli %scan3A_295, %mul3A_308 : i32
      %add3A_310 = arith.constant 1 : i32
      %add3A_311 = arith.addi %scan3A_295, %add3A_310 : i32
      %mul3A_312 = arith.constant 16 : i32
      %mul3A_313 = arith.muli %add3A_311, %mul3A_312 : i32
      %broadcast_in_dim3A = arith.constant 0.000000e+00 : f32
      %broadcast_in_dim3A_314 = vector.broadcast %broadcast_in_dim3A : f32 to vector<16xf32>
      %while3A = arith.subi %mul3A_313, %mul3A_309 : i32
      %while3A_315 = arith.addi %mul3A_309, %while3A : i32
      %while3A_316 = arith.constant 1 : i32
      %while3A_317 = arith.divsi %while3A, %while3A_316 : i32
      %while3A_318 = arith.muli %while3A_317, %while3A_316 : i32
      %while3A_319 = arith.addi %mul3A_309, %while3A_318 : i32
      %while3A_320 = arith.constant 1 : i32
      %while3A_321 = scf.for %while3A_327 = %mul3A_309 to %while3A_319 step %while3A_320 iter_args(%while3A_328 = %broadcast_in_dim3A_314) -> (vector<16xf32>)  : i32 {
        %get3A_329 = arith.index_cast %while3A_327 : i32 to index
        %get3A_330 = arith.constant 0 : index
        %get3A_331 = tpu.vector_load %arg7[%get3A_329, %get3A_330] {strides = array<i32>} : memref<512x128xf32, #tpu.memory_space<vmem>>, vector<16xf32>,
        %mul3A_332 = arith.mulf %get3A_275, %get3A_331 : vector<16xf32>
        %get3A_333 = arith.index_cast %while3A_327 : i32 to index
        %get3A_334 = arith.constant 16 : index
        %get3A_335 = tpu.vector_load %arg7[%get3A_333, %get3A_334] {strides = array<i32>} : memref<512x128xf32, #tpu.memory_space<vmem>>, vector<16xf32>,
        %mul3A_336 = arith.mulf %get3A_277, %get3A_335 : vector<16xf32>
        %add3A_337 = arith.addf %mul3A_332, %mul3A_336 : vector<16xf32>
        %get3A_338 = arith.index_cast %while3A_327 : i32 to index
        %get3A_339 = arith.constant 32 : index
        %get3A_340 = tpu.vector_load %arg7[%get3A_338, %get3A_339] {strides = array<i32>} : memref<512x128xf32, #tpu.memory_space<vmem>>, vector<16xf32>,
        %mul3A_341 = arith.mulf %get3A_279, %get3A_340 : vector<16xf32>
        %add3A_342 = arith.addf %add3A_337, %mul3A_341 : vector<16xf32>
        %get3A_343 = arith.index_cast %while3A_327 : i32 to index
        %get3A_344 = arith.constant 48 : index
        %get3A_345 = tpu.vector_load %arg7[%get3A_343, %get3A_344] {strides = array<i32>} : memref<512x128xf32, #tpu.memory_space<vmem>>, vector<16xf32>,
        %mul3A_346 = arith.mulf %get3A_281, %get3A_345 : vector<16xf32>
        %add3A_347 = arith.addf %add3A_342, %mul3A_346 : vector<16xf32>
        %get3A_348 = arith.index_cast %while3A_327 : i32 to index
        %get3A_349 = arith.constant 64 : index
        %get3A_350 = tpu.vector_load %arg7[%get3A_348, %get3A_349] {strides = array<i32>} : memref<512x128xf32, #tpu.memory_space<vmem>>, vector<16xf32>,
        %mul3A_351 = arith.mulf %get3A_283, %get3A_350 : vector<16xf32>
        %add3A_352 = arith.addf %add3A_347, %mul3A_351 : vector<16xf32>
        %get3A_353 = arith.index_cast %while3A_327 : i32 to index
        %get3A_354 = arith.constant 80 : index
        %get3A_355 = tpu.vector_load %arg7[%get3A_353, %get3A_354] {strides = array<i32>} : memref<512x128xf32, #tpu.memory_space<vmem>>, vector<16xf32>,
        %mul3A_356 = arith.mulf %get3A_285, %get3A_355 : vector<16xf32>
        %add3A_357 = arith.addf %add3A_352, %mul3A_356 : vector<16xf32>
        %get3A_358 = arith.index_cast %while3A_327 : i32 to index
        %get3A_359 = arith.constant 96 : index
        %get3A_360 = tpu.vector_load %arg7[%get3A_358, %get3A_359] {strides = array<i32>} : memref<512x128xf32, #tpu.memory_space<vmem>>, vector<16xf32>,
        %mul3A_361 = arith.mulf %get3A_287, %get3A_360 : vector<16xf32>
        %add3A_362 = arith.addf %add3A_357, %mul3A_361 : vector<16xf32>
        %get3A_363 = arith.index_cast %while3A_327 : i32 to index
        %get3A_364 = arith.constant 112 : index
        %get3A_365 = tpu.vector_load %arg7[%get3A_363, %get3A_364] {strides = array<i32>} : memref<512x128xf32, #tpu.memory_space<vmem>>, vector<16xf32>,
        %mul3A_366 = arith.mulf %get3A_289, %get3A_365 : vector<16xf32>
        %add3A_367 = arith.addf %add3A_362, %mul3A_366 : vector<16xf32>
        %reduce_sum3A = arith.constant true
        %reduce_sum3A_368 = vector.broadcast %reduce_sum3A : i1 to vector<16xi1>
        %reduce_sum3A_369 = tpu.scan <sum>, %add3A_367 masked %reduce_sum3A_368 : vector<16xf32>, vector<16xi1> -> vector<16xf32>
        %reduce_sum3A_370 = vector.extract %reduce_sum3A_369[15] : f32 from vector<16xf32>
        %and3A = arith.constant 15 : i32
        %and3A_371 = arith.andi %while3A_327, %and3A : i32
        %eq3A = vector.broadcast %and3A_371 : i32 to vector<16xi32>
        %eq3A_372 = arith.cmpi eq, %iota3A, %eq3A : vector<16xi32>
        %broadcast_in_dim3A_373 = vector.broadcast %reduce_sum3A_370 : f32 to vector<16xf32>
        %select_n3A = arith.select %eq3A_372, %broadcast_in_dim3A_373, %while3A_328 : vector<16xi1>, vector<16xf32>
        scf.yield %select_n3A : vector<16xf32>
      }
      %while3A_322 = arith.constant 1 : i32
      %while3A_323 = scf.for %while3A_327 = %while3A_319 to %while3A_315 step %while3A_322 iter_args(%while3A_328 = %while3A_321) -> (vector<16xf32>)  : i32 {
        %get3A_329 = arith.index_cast %while3A_327 : i32 to index
        %get3A_330 = arith.constant 0 : index
        %get3A_331 = tpu.vector_load %arg7[%get3A_329, %get3A_330] {strides = array<i32>} : memref<512x128xf32, #tpu.memory_space<vmem>>, vector<16xf32>,
        %mul3A_332 = arith.mulf %get3A_275, %get3A_331 : vector<16xf32>
        %get3A_333 = arith.index_cast %while3A_327 : i32 to index
        %get3A_334 = arith.constant 16 : index
        %get3A_335 = tpu.vector_load %arg7[%get3A_333, %get3A_334] {strides = array<i32>} : memref<512x128xf32, #tpu.memory_space<vmem>>, vector<16xf32>,
        %mul3A_336 = arith.mulf %get3A_277, %get3A_335 : vector<16xf32>
        %add3A_337 = arith.addf %mul3A_332, %mul3A_336 : vector<16xf32>
        %get3A_338 = arith.index_cast %while3A_327 : i32 to index
        %get3A_339 = arith.constant 32 : index
        %get3A_340 = tpu.vector_load %arg7[%get3A_338, %get3A_339] {strides = array<i32>} : memref<512x128xf32, #tpu.memory_space<vmem>>, vector<16xf32>,
        %mul3A_341 = arith.mulf %get3A_279, %get3A_340 : vector<16xf32>
        %add3A_342 = arith.addf %add3A_337, %mul3A_341 : vector<16xf32>
        %get3A_343 = arith.index_cast %while3A_327 : i32 to index
        %get3A_344 = arith.constant 48 : index
        %get3A_345 = tpu.vector_load %arg7[%get3A_343, %get3A_344] {strides = array<i32>} : memref<512x128xf32, #tpu.memory_space<vmem>>, vector<16xf32>,
        %mul3A_346 = arith.mulf %get3A_281, %get3A_345 : vector<16xf32>
        %add3A_347 = arith.addf %add3A_342, %mul3A_346 : vector<16xf32>
        %get3A_348 = arith.index_cast %while3A_327 : i32 to index
        %get3A_349 = arith.constant 64 : index
        %get3A_350 = tpu.vector_load %arg7[%get3A_348, %get3A_349] {strides = array<i32>} : memref<512x128xf32, #tpu.memory_space<vmem>>, vector<16xf32>,
        %mul3A_351 = arith.mulf %get3A_283, %get3A_350 : vector<16xf32>
        %add3A_352 = arith.addf %add3A_347, %mul3A_351 : vector<16xf32>
        %get3A_353 = arith.index_cast %while3A_327 : i32 to index
        %get3A_354 = arith.constant 80 : index
        %get3A_355 = tpu.vector_load %arg7[%get3A_353, %get3A_354] {strides = array<i32>} : memref<512x128xf32, #tpu.memory_space<vmem>>, vector<16xf32>,
        %mul3A_356 = arith.mulf %get3A_285, %get3A_355 : vector<16xf32>
        %add3A_357 = arith.addf %add3A_352, %mul3A_356 : vector<16xf32>
        %get3A_358 = arith.index_cast %while3A_327 : i32 to index
        %get3A_359 = arith.constant 96 : index
        %get3A_360 = tpu.vector_load %arg7[%get3A_358, %get3A_359] {strides = array<i32>} : memref<512x128xf32, #tpu.memory_space<vmem>>, vector<16xf32>,
        %mul3A_361 = arith.mulf %get3A_287, %get3A_360 : vector<16xf32>
        %add3A_362 = arith.addf %add3A_357, %mul3A_361 : vector<16xf32>
        %get3A_363 = arith.index_cast %while3A_327 : i32 to index
        %get3A_364 = arith.constant 112 : index
        %get3A_365 = tpu.vector_load %arg7[%get3A_363, %get3A_364] {strides = array<i32>} : memref<512x128xf32, #tpu.memory_space<vmem>>, vector<16xf32>,
        %mul3A_366 = arith.mulf %get3A_289, %get3A_365 : vector<16xf32>
        %add3A_367 = arith.addf %add3A_362, %mul3A_366 : vector<16xf32>
        %reduce_sum3A = arith.constant true
        %reduce_sum3A_368 = vector.broadcast %reduce_sum3A : i1 to vector<16xi1>
        %reduce_sum3A_369 = tpu.scan <sum>, %add3A_367 masked %reduce_sum3A_368 : vector<16xf32>, vector<16xi1> -> vector<16xf32>
        %reduce_sum3A_370 = vector.extract %reduce_sum3A_369[15] : f32 from vector<16xf32>
        %and3A = arith.constant 15 : i32
        %and3A_371 = arith.andi %while3A_327, %and3A : i32
        %eq3A = vector.broadcast %and3A_371 : i32 to vector<16xi32>
        %eq3A_372 = arith.cmpi eq, %iota3A, %eq3A : vector<16xi32>
        %broadcast_in_dim3A_373 = vector.broadcast %reduce_sum3A_370 : f32 to vector<16xf32>
        %select_n3A = arith.select %eq3A_372, %broadcast_in_dim3A_373, %while3A_328 : vector<16xi1>, vector<16xf32>
        scf.yield %select_n3A : vector<16xf32>
      }
      %mul3A_324 = arith.constant 16 : i32
      %mul3A_325 = arith.muli %scan3A_295, %mul3A_324 : i32
      %swap3A = arith.index_cast %mul3A_325 : i32 to index
      %swap3A_326 = tpu.vector_load %arg9[%swap3A] {strides = array<i32>} : memref<512xf32, #tpu.memory_space<vmem>>, vector<16xf32>,
      tpu.vector_store %arg9[%swap3A], %while3A_323 {strides = array<i32>} : memref<512xf32, #tpu.memory_space<vmem>>, vector<16xf32>,
    }
    %scan3A_294 = arith.constant 32 : i32
    "tpu.region"() ({
      %run_scoped3A = tpu.sem_alloc : memref<!tpu.dma_semaphore, #tpu.memory_space<semaphore_mem>>
      %dma_start3A_295 = tpu.memref_slice %arg5[%mul3A_2] : memref<16384xf32, #tpu.memory_space<hbm>> -> memref<512xf32, #tpu.memory_space<hbm>>
      %dma_start3A_296 = tpu.memref_slice %arg5[%mul3A_2] : memref<16384xf32, #tpu.memory_space<hbm>> -> memref<512xf32, #tpu.memory_space<hbm>>
      tpu.enqueue_dma source(%arg9 : memref<512xf32, #tpu.memory_space<vmem>>) target(%dma_start3A_296 : memref<512xf32, #tpu.memory_space<hbm>>) target_semaphore(%run_scoped3A : memref<!tpu.dma_semaphore, #tpu.memory_space<semaphore_mem>>)
      %dma_wait3A_297 = tpu.memref_slice %arg5[%mul3A_2] : memref<16384xf32, #tpu.memory_space<hbm>> -> memref<512xf32, #tpu.memory_space<hbm>>
      %dma_wait3A_298 = tpu.memref_slice %arg5[%mul3A_2] : memref<16384xf32, #tpu.memory_space<hbm>> -> memref<512xf32, #tpu.memory_space<hbm>>
      tpu.wait_dma2 semaphore(%run_scoped3A : memref<!tpu.dma_semaphore, #tpu.memory_space<semaphore_mem>>) src(%arg9 : memref<512xf32, #tpu.memory_space<vmem>>) dst(%dma_wait3A_298 : memref<512xf32, #tpu.memory_space<hbm>>)
      tpu.yield
    }) : () -> ()
    return
  }
}

</mosaic_0001>

<sc_bundles>
// kernel: kernel.3.cloned.1.call-start
scs
__scs_entry_jumppad:
0x0: {  	(pc) =	sbr.rel $0x88, $3  }
0x1: {  	(tag) =	ssettag $0x0;
	lr =	simm.s32 $0x1  }
0x2: {  	[smem:$0x3F9E] =	sst lr;
	_ =	strace $0xD0000000  }
0x3: {  	_ = 	snop  }
0x4: {  	_ = 	snop  }
0x5: {  	_ = 	snop  }
0x6: {  	_ = 	snop  }
0x7: {  	_ = 	snop  }
__scs_overlays_trampoline_lowered:
0x8: {  	[smem:$0x3FAD] =	sst s0  }
0x9: {  	[smem:$0x3FAE] =	sst s1  }
0xa: {  	[smem:$0x3FAF] =	sst s2  }
0xb: {  	[smem:$0x3FB0] =	sst s3  }
0xc: {  	[smem:$0x3FB1] =	sst s4  }
0xd: {  	[smem:$0x3FB2] =	sst s5  }
0xe: {  	[smem:$0x3FB3] =	sst s6  }
0xf: {  	[smem:$0x3FB4] =	sst s7  }
0x10: {  	[smem:$0x3FB5] =	sst s8  }
0x11: {  	[smem:$0x3FB6] =	sst s9;
	s0 =	simm.s32 @!p0 $0x0  }
0x12: {  	s1 =	sld [smem:$0x3F9C];
	s0 =	simm.s32 @p0 $0x1  }
0x13: {  	[smem:$0x3FB7] =	sst s0;
	s0 =	simm.s32 @!p1 $0x0  }
0x14: {  	s2 =	sld [smem:$0x3F9B];
	s0 =	simm.s32 @p1 $0x1  }
0x15: {  	[smem:$0x3FB8] =	sst s0;
	s0 =	simm.s32 @!p2 $0x0  }
0x16: {  	s3 =	sld [smem:$0x3FDB];
	s0 =	simm.s32 @p2 $0x1  }
0x17: {  	s4 =	simm.s32 $0x1BF5;
	[smem:$0x3FBA] =	sst s0  }
0x18: {  	s0 =	sld [smem:$0x3F9D];
	_ =	swait.ge [sflag:s4], $0x0  }
0x19: {  	s7 =	sld [smem:$0x3F9E]  }
0x1a: {  	s8 =	sadd.s32 $0xFFFFE003, lr  }
0x1b: {  	s9 =	sadd.s32 $0xFFFFFEF7, lr;
	s5 =	simm.s32 $0xFFFFFFFF;
	p2 =	slt.u32 s8, $0xFFFFF086  }
0x1c: {  	p1 =	slt.u32 s9, $0xF7A;
	s5 =	simm.s32 @!p2 $0x0  }
0x1d: {  	s5 =	simm.s32 @p1 $0x1;
	p0 =	seq.s32 s7, s2  }
0x1e: {  	s7 =	smul.u32 @!p0 $0xF7A, s2;
	p2 =	seq.s32 @!p0 s5, $0x0  }
0x1f: {  	s9 =	smul.u32 $0xF7A, s1;
	s8 =	simm.s32 @!p0 $0x1BF5;
	p2 =	por !p2, p0  }
0x20: {  	[sflag:s8] =	ssyncset.s32 @!p0 $0xFFFFF086;
	s6 =	sadd.s32 @!p0 s3, s7;
	s7 =	simm.s32 @!p0 $0x108  }
0x21: {  	s3 =	sadd.s32 s3, s9;
	s6 =	sadd.s32 @!p0 $0x88, s6;
	s7 =	simm.s32 @p2 $0x1082  }
0x22: {  	[simem:s7], [sflag:s8] =	dma.local @!p0 [hbm:s6], $0xF7A  }
0x23: {  	s9 =	sor.u32 $0xD0000000, s2;
	s6 =	simm.s32 $0x108;
	_ =	swait.ge @!p0 [sflag:s8], $0x0  }
0x24: {  	s3 =	sadd.s32 $0x88, s3;
	s6 =	simm.s32 @!p1 $0x1082;
	[sflag:s4] =	ssyncset.s32 $0xFFFFF086  }
0x25: {  	[simem:s6], [sflag:s4] =	dma.local [hbm:s3], $0xF7A  }
0x26: {  	[smem:$0x3F9E] =	sst s1;
	(tag) =	ssettag s2;
	_ =	strace s9  }
0x27: {  	s1 =	sld [smem:$0x3FAE]  }
0x28: {  	s2 =	sld [smem:$0x3FAF]  }
0x29: {  	s4 =	sld [smem:$0x3FB1]  }
0x2a: {  	p0 =	seq.s32 s5, $0x0;
	s5 =	sld [smem:$0x3FB2]  }
0x2b: {  	s6 =	sld [smem:$0x3FB3]  }
0x2c: {  	s7 =	sld [smem:$0x3FB4]  }
0x2d: {  	s3 =	simm.s32 $0x108;
	s8 =	sld [smem:$0x3FB5]  }
0x2e: {  	s3 =	simm.s32 @!p0 $0x1082;
	s9 =	sld [smem:$0x3FB6]  }
0x2f: {  	lr =	sadd.s32 s0, s3;
	s0 =	sld [smem:$0x3FAD]  }
0x30: {  	s3 =	sld [smem:$0x3FB0]  }
0x31: {  	[smem:$0x3FB9] =	sst s10  }
0x32: {  	s10 =	sld [smem:$0x3FB7];
	_ =	sdelay $0x3  }
0x33: {  	p0 =	seq.s32 s10, $0x1;
	s10 =	sld [smem:$0x3FB9];
	_ =	sdelay $0x3  }
0x34: {  	[smem:$0x3FB9] =	sst s10  }
0x35: {  	s10 =	sld [smem:$0x3FB8];
	_ =	sdelay $0x3  }
0x36: {  	p1 =	seq.s32 s10, $0x1;
	s10 =	sld [smem:$0x3FB9];
	_ =	sdelay $0x3  }
0x37: {  	[smem:$0x3FB9] =	sst s10  }
0x38: {  	s10 =	sld [smem:$0x3FBA]  }
0x39: {  	_ = 	snop;
	(pc) =	sbr.ind lr, $3  }
0x3a: {  	_ = 	snop  }
0x3b: {  	_ = 	snop  }
0x3c: {  	p2 =	seq.s32 s10, $0x1;
	s10 =	sld [smem:$0x3FB9]  }
0x3d: {  	_ =	shalt  }
0x3e: {  	_ =	shalt  }
0x3f: {  	_ =	shalt  }
0x40: {  	_ =	shalt  }
0x41: {  	_ =	shalt  }
0x42: {  	_ =	shalt  }
0x43: {  	_ =	shalt  }
0x44: {  	_ =	shalt  }
0x45: {  	_ =	shalt  }
0x46: {  	_ =	shalt  }
0x47: {  	_ =	shalt  }
0x48: {  	_ =	shalt  }
0x49: {  	_ =	shalt  }
0x4a: {  	_ =	shalt  }
0x4b: {  	_ =	shalt  }
0x4c: {  	_ =	shalt  }
0x4d: {  	_ =	shalt  }
0x4e: {  	_ =	shalt  }
0x4f: {  	_ =	shalt  }
0x50: {  	_ =	shalt  }
0x51: {  	_ =	shalt  }
0x52: {  	_ =	shalt  }
0x53: {  	_ =	shalt  }
0x54: {  	_ =	shalt  }
0x55: {  	_ =	shalt  }
0x56: {  	_ =	shalt  }
0x57: {  	_ =	shalt  }
0x58: {  	_ =	shalt  }
0x59: {  	_ =	shalt  }
0x5a: {  	_ =	shalt  }
0x5b: {  	_ =	shalt  }
0x5c: {  	_ =	shalt  }
0x5d: {  	_ =	shalt  }
0x5e: {  	_ =	shalt  }
0x5f: {  	_ =	shalt  }
0x60: {  	_ =	shalt  }
0x61: {  	_ =	shalt  }
0x62: {  	_ =	shalt  }
0x63: {  	_ =	shalt  }
0x64: {  	_ =	shalt  }
0x65: {  	_ =	shalt  }
0x66: {  	_ =	shalt  }
0x67: {  	_ =	shalt  }
0x68: {  	_ =	shalt  }
0x69: {  	_ =	shalt  }
0x6a: {  	_ =	shalt  }
0x6b: {  	_ =	shalt  }
0x6c: {  	_ =	shalt  }
0x6d: {  	_ =	shalt  }
0x6e: {  	_ =	shalt  }
0x6f: {  	_ =	shalt  }
0x70: {  	_ =	shalt  }
0x71: {  	_ =	shalt  }
0x72: {  	_ =	shalt  }
0x73: {  	_ =	shalt  }
0x74: {  	_ =	shalt  }
0x75: {  	_ =	shalt  }
0x76: {  	_ =	shalt  }
0x77: {  	_ =	shalt  }
0x78: {  	_ =	shalt  }
0x79: {  	_ =	shalt  }
0x7a: {  	_ =	shalt  }
0x7b: {  	_ =	shalt  }
0x7c: {  	_ =	shalt  }
0x7d: {  	_ =	shalt  }
0x7e: {  	_ =	shalt  }
0x7f: {  	_ =	shalt  }
0x80: {  	_ =	shalt  }
0x81: {  	_ =	shalt  }
0x82: {  	_ =	shalt  }
0x83: {  	_ =	shalt  }
0x84: {  	_ =	shalt  }
0x85: {  	_ =	shalt  }
0x86: {  	_ =	shalt  }
0x87: {  	_ =	shalt  }
.Lfunc_end0:
.L_simem_size_0:
called_computation_lowered:
.L_overlay_start_0:
0x88: {  	s2 =	sld [smem:$0x3FD9]  }
0x89: {  	s3 =	sld [smem:$0x3FFE];
	_ =	sdelay $0x1  }
0x8a: {  	s1 =	srdreg.scid  }
0x8b: {  	s0 =	sand.u32 $0x1, s1  }
0x8c: {  	s18 =	sshll.u32 s0, $0xA;
	s2 =	sadd.s32 s3, s2  }
0x8d: {  	s2 =	sadd.s32 s2, s18  }
0x8e: {  	[smem:$0x3FC5] =	sst s2  }
0x8f: {  	_ = 	snop  }
0x90: {  	s2 =	sld [smem:$0x3FC9]  }
0x91: {  	s19 =	sld [smem:$0x3FC8]  }
0x92: {  	s4 =	sld [smem:$0x3FC7]  }
0x93: {  	s5 =	sld [smem:$0x3FD0];
	(tm) =	ssettm $0x1  }
0x94: {  	s6 =	sld [smem:$0x3FFB];
	_ =	sdelay $0x3  }
0x95: {  	_ =	strace s6  }
0x96: {  	s6 =	sld [smem:$0x3FFC];
	_ =	sdelay $0x3  }
0x97: {  	_ =	strace s6  }
0x98: {  	s6 =	sld [smem:$0x3FFD];
	_ =	sdelay $0x3  }
0x99: {  	_ =	strace s6  }
0x9a: {  	_ =	strace $0x8FFFFFFF  }
0x9b: {  	s20 =	sld [smem:$0x3FDB];
	_ =	sdelay $0x1  }
0x9c: {  	s7 =	simm.s32 $_scs_section_size  }
0x9d: {  	s8 =	simm.s32 $_size__tile_overlayer_lowered;
	s9 =	simm.s32 $_tile_overlayer_lowered  }
0x9e: {  	s23 =	simm.s32 $0x1BFF;
	s22 =	sshll.u32 s9, $0x1;
	s6 =	sadd.s32 s7, s20  }
0x9f: {  	s10 =	simm.s32 $0x0;
	s21 =	sshll.u32 s8, $0x1;
	s8 =	sadd.s32 s22, s6  }
0xa0: {  	[timem:s10], [sflag:s23] =	dma.local [hbm:s8], s21  }
0xa1: {  	_ =	swait.ge [sflag:s23], s21  }
0xa2: {  	s7 =	ssub.s32 $0x0, s21;
	[sflag:s23] =	ssyncset.done $0x0  }
0xa3: {  	[sflag:s23] =	ssyncadd.s32 s7;
	_ =	sdelay $0x1  }
0xa4: {  	s24 =	simm.s32 $0x1B8B  }
0xa5: {  	_ =	swait.ge [sflag:s24], $0x1  }
0xa6: {  	[sflag:s24] =	ssyncset.done $0x0  }
0xa7: {  	s25 =	simm.s32 $0x1B8E;
	[sflag:s24] =	ssyncadd.s32 $0xFFFFFFFF  }
0xa8: {  	s26 =	simm.s32 $execute0_lowered;
	[smem:$0x3FD2] =	sst s25  }
0xa9: {  	s7 =	sshll.u32 s26, $0x1;
	_ =	strace $0x80000046;
	[dreg:$0x1] =	wrdreg $0xFFFFFFFF  }
0xaa: {  	s28 =	simm.s32 $_size_execute0_lowered;
	s6 =	sadd.s32 s6, s7;
	[dreg:$0x0] =	wrdreg $0x0  }
0xab: {  	s7 =	sshll.u32 s28, $0x1;
	[dreg:$0x2] =	wrdreg s6  }
0xac: {  	[dreg:$0x3] =	wrdreg s7  }
0xad: {  	[dreg:$0x4] =	wrdreg $0xC0  }
0xae: {  	_ =	task [dreg:s10], $0x5FFFF  }
0xaf: {  	[dreg:$0x1] =	wrdreg $0xFFFFFFFF  }
0xb0: {  	[dreg:$0x0] =	wrdreg $0x60  }
0xb1: {  	[dreg:$0x2] =	wrdreg s2  }
0xb2: {  	[dreg:$0x3] =	wrdreg s19  }
0xb3: {  	[dreg:$0x4] =	wrdreg s4  }
0xb4: {  	[dreg:$0x5] =	wrdreg s5  }
0xb5: {  	[dreg:$0x6] =	wrdreg $0x9  }
0xb6: {  	_ =	task.clear_ibuf [dreg:s10], $0x7FFFF;
	_ =	strace $0x90000046  }
0xb7: {  	s29 =	simm.s32 $0x9;
	_ =	strace $0x80000048  }
0xb8: {  	_ =	swait.ge [sflag:s29], $0x1  }
0xb9: {  	[sflag:s29] =	ssyncadd.s32 $0xFFFFFFFF  }
0xba: {  	_ =	strace $0x90000048  }
0xbb: {  	_ =	sfence  }
0xbc: {  	s30 =	sld [smem:$0x0];
	_ =	sdelay $0x2  }
0xbd: {  	s31 =	sshll.u32 s1, $0xD;
	s1 =	sshrl.u32 s1, $0x2  }
0xbe: {  	s3 =	sand.u32 $0x4000, s31;
	s1 =	sadd.s32 s1, s30  }
0xbf: {  	s0 =	sor.u32 s3, s0;
	s1 =	sshll.u32 s1, $0x11  }
0xc0: {  	s0 =	sor.u32 s1, s0  }
0xc1: {  	s0 =	sadd.s32 $0x8F2B, s0  }
0xc2: {  	[sflag:s0] =	ssyncadd.remote.s32 $0x1  }
0xc3: {  	_ =	sfence.sel $0xFFFF  }
0xc4: {  	[dreg:$0x0] =	wrdreg $0xFFFFFFFF;
	(pc) =	sbr.abs _section_cstart, $3  }
0xc5: {  	[dreg:$0x1] =	wrdreg $0xFFFFFFFF  }
0xc6: {  	_ =	task.clear_ibuf [dreg:s10], $0x2FFFF;
	_ =	strace $0x9FFFFFFF  }
0xc7: {  	(tm) =	ssettm $0x7FFFFFFF  }
tec
execute0_lowered:
.L_overlay_start_1:
0x0: {  	(tag) =	ssettag $0x1  }
0x1: {  	s0 =	rddreg [dreg:$0x0]  }
0x2: {  	s1 =	rddreg [dreg:$0x1]  }
0x3: {  	s2 =	rddreg [dreg:$0x3];
	s4 =	simm.s32 $0x0  }
0x4: {  	s3 =	srdreg.scid;
	s6 =	stileid.u32;
	s9 =	simm.s32 $0x1  }
0x5: {  	s10 =	simm.s32 $0x10;
	s14 =	simm.s32 $0xD200;
	s15 =	simm.s32 $0x1B0  }
0x6: {  	s16 =	simm.s32 $0xDA00;
	s17 =	simm.s32 $0x1C0;
	s18 =	simm.s32 $0xE200  }
0x7: {  	s19 =	simm.s32 $0x1D0;
	s20 =	simm.s32 $0xEA00;
	s21 =	simm.s32 $0x1E0  }
0x8: {  	s22 =	simm.s32 $0xF200;
	s23 =	simm.s32 $0x1F0;
	s24 =	simm.s32 $0xFA00  }
0x9: {  	s25 =	simm.s32 $0x10280;
	s26 =	simm.s32 $0x2;
	s3 =	sand.u32 $0x1, s3  }
0xa: {  	s28 =	simm.s32 $0x0;
	[smem:$0x7FF] =	sst s4;
	s5 =	ssub.s32 $0x2, s3  }
0xb: {  	s6 =	sshll.u32 s6, $0x7;
	s3 =	sshll.u32 s3, $0x6;
	s7 =	sshrl.u32 s5, $0x1  }
0xc: {  	_ =	strace $0x80000047;
	s3 =	sor.u32 s3, s6;
	s7 =	ssub.s32 s5, s7  }
0xd: {  	v0 =	vlaneseq.u32;
	s5 =	sadd.s32 s0, s3;
	s6 =	sadd.s32 s2, s3;
	s7 =	smax.u32 s7, $0x1  }
.LBB2_1:
0xe: {  	[tilespmem:s4], [sflag:$0x1] =	stream.linear.gather [hbm4b:s5+s4], $0x200, $0x38;
	[tilespmem:$0x10480] =	vst v63  }
0xf: {  	s0 =	rddreg [dreg:$0x2];
	s2 =	simm.s32 $0x10200  }
0x10: {  	[tilespmem:s2], [sflag:$0x1] =	stream.linear.gather [hbm4b:s0+s4], $0x80, $0x38;
	[tilespmem:$0x10480] =	vst v63  }
0x11: {  	_ =	swait.ge [sflag:s9], $0x200  }
0x12: {  	[sflag:s9] =	ssyncset.done $0x0  }
0x13: {  	[sflag:s9] =	ssyncadd.s32 $0xFFFFFE00  }
0x14: {  	_ =	swait.ge [sflag:s9], $0x80  }
0x15: {  	[sflag:s9] =	ssyncset.done $0x0  }
0x16: {  	s31 =	simm.s32 $0x200;
	[sflag:s9] =	ssyncadd.s32 $0xFFFFFF80  }
0x17: {  	[tilespmem:s31], [sflag:$0x1] =	stream.indirect.gather [hbm4b:s1+s10], $0x80, s4, s10, $0xb8;
	[tilespmem:$0x10480] =	vst v63  }
0x18: {  	s2 =	simm.s32 $0xA00  }
0x19: {  	[tilespmem:s2], [sflag:$0x1] =	stream.indirect.gather [hbm4b:s1+s10], $0x80, s10, s10, $0xb8;
	[tilespmem:$0x10480] =	vst v63  }
0x1a: {  	s3 =	simm.s32 $0x20;
	s8 =	simm.s32 $0x1200  }
0x1b: {  	[tilespmem:s8], [sflag:$0x1] =	stream.indirect.gather [hbm4b:s1+s10], $0x80, s3, s10, $0xb8;
	[tilespmem:$0x10480] =	vst v63  }
0x1c: {  	s11 =	simm.s32 $0x30;
	s12 =	simm.s32 $0x1A00  }
0x1d: {  	[tilespmem:s12], [sflag:$0x1] =	stream.indirect.gather [hbm4b:s1+s10], $0x80, s11, s10, $0xb8;
	[tilespmem:$0x10480] =	vst v63  }
0x1e: {  	s13 =	simm.s32 $0x40;
	s31 =	simm.s32 $0x2200  }
0x1f: {  	[tilespmem:s31], [sflag:$0x1] =	stream.indirect.gather [hbm4b:s1+s10], $0x80, s13, s10, $0xb8;
	[tilespmem:$0x10480] =	vst v63  }
0x20: {  	s3 =	simm.s32 $0x50;
	s8 =	simm.s32 $0x2A00  }
0x21: {  	[tilespmem:s8], [sflag:$0x1] =	stream.indirect.gather [hbm4b:s1+s10], $0x80, s3, s10, $0xb8;
	[tilespmem:$0x10480] =	vst v63  }
0x22: {  	s11 =	simm.s32 $0x60;
	s12 =	simm.s32 $0x3200  }
0x23: {  	[tilespmem:s12], [sflag:$0x1] =	stream.indirect.gather [hbm4b:s1+s10], $0x80, s11, s10, $0xb8;
	[tilespmem:$0x10480] =	vst v63  }
0x24: {  	s13 =	simm.s32 $0x70;
	s31 =	simm.s32 $0x3A00  }
0x25: {  	[tilespmem:s31], [sflag:$0x1] =	stream.indirect.gather [hbm4b:s1+s10], $0x80, s13, s10, $0xb8;
	[tilespmem:$0x10480] =	vst v63  }
0x26: {  	s3 =	simm.s32 $0x80;
	s8 =	simm.s32 $0x4200  }
0x27: {  	[tilespmem:s8], [sflag:$0x1] =	stream.indirect.gather [hbm4b:s1+s10], $0x80, s3, s10, $0xb8;
	[tilespmem:$0x10480] =	vst v63  }
0x28: {  	s11 =	simm.s32 $0x90;
	s12 =	simm.s32 $0x4A00  }
0x29: {  	[tilespmem:s12], [sflag:$0x1] =	stream.indirect.gather [hbm4b:s1+s10], $0x80, s11, s10, $0xb8;
	[tilespmem:$0x10480] =	vst v63  }
0x2a: {  	s13 =	simm.s32 $0xA0;
	s31 =	simm.s32 $0x5200  }
0x2b: {  	[tilespmem:s31], [sflag:$0x1] =	stream.indirect.gather [hbm4b:s1+s10], $0x80, s13, s10, $0xb8;
	[tilespmem:$0x10480] =	vst v63  }
0x2c: {  	s3 =	simm.s32 $0xB0;
	s8 =	simm.s32 $0x5A00  }
0x2d: {  	[tilespmem:s8], [sflag:$0x1] =	stream.indirect.gather [hbm4b:s1+s10], $0x80, s3, s10, $0xb8;
	[tilespmem:$0x10480] =	vst v63  }
0x2e: {  	s11 =	simm.s32 $0xC0;
	s12 =	simm.s32 $0x6200  }
0x2f: {  	[tilespmem:s12], [sflag:$0x1] =	stream.indirect.gather [hbm4b:s1+s10], $0x80, s11, s10, $0xb8;
	[tilespmem:$0x10480] =	vst v63  }
0x30: {  	s13 =	simm.s32 $0xD0;
	s31 =	simm.s32 $0x6A00  }
0x31: {  	[tilespmem:s31], [sflag:$0x1] =	stream.indirect.gather [hbm4b:s1+s10], $0x80, s13, s10, $0xb8;
	[tilespmem:$0x10480] =	vst v63  }
0x32: {  	s3 =	simm.s32 $0xE0;
	s8 =	simm.s32 $0x7200  }
0x33: {  	[tilespmem:s8], [sflag:$0x1] =	stream.indirect.gather [hbm4b:s1+s10], $0x80, s3, s10, $0xb8;
	[tilespmem:$0x10480] =	vst v63  }
0x34: {  	s11 =	simm.s32 $0xF0;
	s12 =	simm.s32 $0x7A00  }
0x35: {  	[tilespmem:s12], [sflag:$0x1] =	stream.indirect.gather [hbm4b:s1+s10], $0x80, s11, s10, $0xb8;
	[tilespmem:$0x10480] =	vst v63  }
0x36: {  	s13 =	simm.s32 $0x100;
	s31 =	simm.s32 $0x8200  }
0x37: {  	[tilespmem:s31], [sflag:$0x1] =	stream.indirect.gather [hbm4b:s1+s10], $0x80, s13, s10, $0xb8;
	[tilespmem:$0x10480] =	vst v63  }
0x38: {  	s3 =	simm.s32 $0x110;
	s8 =	simm.s32 $0x8A00  }
0x39: {  	[tilespmem:s8], [sflag:$0x1] =	stream.indirect.gather [hbm4b:s1+s10], $0x80, s3, s10, $0xb8;
	[tilespmem:$0x10480] =	vst v63  }
0x3a: {  	s11 =	simm.s32 $0x120;
	s12 =	simm.s32 $0x9200  }
0x3b: {  	[tilespmem:s12], [sflag:$0x1] =	stream.indirect.gather [hbm4b:s1+s10], $0x80, s11, s10, $0xb8;
	[tilespmem:$0x10480] =	vst v63  }
0x3c: {  	s13 =	simm.s32 $0x130;
	s31 =	simm.s32 $0x9A00  }
0x3d: {  	[tilespmem:s31], [sflag:$0x1] =	stream.indirect.gather [hbm4b:s1+s10], $0x80, s13, s10, $0xb8;
	[tilespmem:$0x10480] =	vst v63  }
0x3e: {  	s3 =	simm.s32 $0x140;
	s8 =	simm.s32 $0xA200  }
0x3f: {  	[tilespmem:s8], [sflag:$0x1] =	stream.indirect.gather [hbm4b:s1+s10], $0x80, s3, s10, $0xb8;
	[tilespmem:$0x10480] =	vst v63  }
0x40: {  	s11 =	simm.s32 $0x150;
	s12 =	simm.s32 $0xAA00  }
0x41: {  	[tilespmem:s12], [sflag:$0x1] =	stream.indirect.gather [hbm4b:s1+s10], $0x80, s11, s10, $0xb8;
	[tilespmem:$0x10480] =	vst v63  }
0x42: {  	s13 =	simm.s32 $0x160;
	s31 =	simm.s32 $0xB200  }
0x43: {  	[tilespmem:s31], [sflag:$0x1] =	stream.indirect.gather [hbm4b:s1+s10], $0x80, s13, s10, $0xb8;
	[tilespmem:$0x10480] =	vst v63  }
0x44: {  	s2 =	simm.s32 $0x170;
	s3 =	simm.s32 $0xBA00  }
0x45: {  	[tilespmem:s3], [sflag:$0x1] =	stream.indirect.gather [hbm4b:s1+s10], $0x80, s2, s10, $0xb8;
	[tilespmem:$0x10480] =	vst v63  }
0x46: {  	s8 =	simm.s32 $0x180;
	s11 =	simm.s32 $0xC200  }
0x47: {  	[tilespmem:s11], [sflag:$0x1] =	stream.indirect.gather [hbm4b:s1+s10], $0x80, s8, s10, $0xb8;
	[tilespmem:$0x10480] =	vst v63  }
0x48: {  	s12 =	simm.s32 $0x190;
	s13 =	simm.s32 $0xCA00  }
0x49: {  	[tilespmem:s13], [sflag:$0x1] =	stream.indirect.gather [hbm4b:s1+s10], $0x80, s12, s10, $0xb8;
	[tilespmem:$0x10480] =	vst v63  }
0x4a: {  	s31 =	simm.s32 $0x1A0  }
0x4b: {  	[tilespmem:s14], [sflag:$0x1] =	stream.indirect.gather [hbm4b:s1+s10], $0x80, s31, s10, $0xb8;
	[tilespmem:$0x10480] =	vst v63  }
0x4c: {  	_ = 	snop  }
0x4d: {  	[tilespmem:s16], [sflag:$0x1] =	stream.indirect.gather [hbm4b:s1+s10], $0x80, s15, s10, $0xb8;
	[tilespmem:$0x10480] =	vst v63  }
0x4e: {  	_ = 	snop  }
0x4f: {  	[tilespmem:s18], [sflag:$0x1] =	stream.indirect.gather [hbm4b:s1+s10], $0x80, s17, s10, $0xb8;
	[tilespmem:$0x10480] =	vst v63  }
0x50: {  	_ = 	snop  }
0x51: {  	[tilespmem:s20], [sflag:$0x1] =	stream.indirect.gather [hbm4b:s1+s10], $0x80, s19, s10, $0xb8;
	[tilespmem:$0x10480] =	vst v63  }
0x52: {  	_ = 	snop  }
0x53: {  	[tilespmem:s22], [sflag:$0x1] =	stream.indirect.gather [hbm4b:s1+s10], $0x80, s21, s10, $0xb8;
	[tilespmem:$0x10480] =	vst v63  }
0x54: {  	_ = 	snop  }
0x55: {  	[tilespmem:s24], [sflag:$0x1] =	stream.indirect.gather [hbm4b:s1+s10], $0x80, s23, s10, $0xb8;
	[tilespmem:$0x10480] =	vst v63  }
0x56: {  	v1 =	vld [tilespmem:$0x10200]  }
0x57: {  	v2 =	vld [tilespmem:$0x10210]  }
0x58: {  	v3 =	vld [tilespmem:$0x10220]  }
0x59: {  	v4 =	vld [tilespmem:$0x10230]  }
0x5a: {  	v5 =	vld [tilespmem:$0x10240]  }
0x5b: {  	v6 =	vld [tilespmem:$0x10250]  }
0x5c: {  	v7 =	vld [tilespmem:$0x10260]  }
0x5d: {  	s29 =	simm.s32 $0x240;
	s30 =	simm.s32 $0x0;
	v8 =	vld [tilespmem:$0x10270]  }
.LBB2_2:
0x5e: {  	_ =	swait.ge [sflag:s9], $0x800  }
0x5f: {  	[sflag:s9] =	ssyncset.done $0x0  }
0x60: {  	[sflag:s9] =	ssyncadd.s32 $0xFFFFF800  }
0x61: {  	v9 =	vld [tilespmem:s29+$0xFFFFFFC0]  }
0x62: {  	v10 =	vld [tilespmem:s29+$0xFFFFFFD0];
	_ =	sdelay $0x1  }
0x63: {  	v11 =	vld [tilespmem:s29+$0xFFFFFFE0];
	_ =	sdelay $0x1  }
0x64: {  	v12 =	vld [tilespmem:s29+$0xFFFFFFF0]  }
0x65: {  	v9 =	vmul.f32 v9, v1;
	v10 =	vmul.f32 v10, v2  }
0x66: {  	v14 =	vld [tilespmem:s29+$0x0]  }
0x67: {  	s0 =	sadd.s32 $0x80, s29;
	v13 =	vld [tilespmem:s29+$0x10];
	v9 =	vadd.f32 v10, v9;
	v10 =	vmul.f32 v11, v3  }
0x68: {  	v15 =	vld [tilespmem:s0+$0xFFFFFFC0]  }
0x69: {  	v11 =	vld [tilespmem:s0+$0xFFFFFFD0];
	v9 =	vadd.f32 v10, v9;
	v10 =	vmul.f32 v12, v4  }
0x6a: {  	v12 =	vld [tilespmem:s29+$0x20]  }
0x6b: {  	v9 =	vadd.f32 v10, v9;
	v10 =	vmul.f32 v14, v5;
	v14 =	vld [tilespmem:s29+$0x30]  }
0x6c: {  	v16 =	vld [tilespmem:s0+$0xFFFFFFE0]  }
0x6d: {  	s2 =	sadd.s32 $0x80, s0;
	v17 =	vld [tilespmem:s0+$0xFFFFFFF0];
	v13 =	vmul.f32 v13, v6;
	v9 =	vadd.f32 v10, v9  }
0x6e: {  	v19 =	vld [tilespmem:s2+$0xFFFFFFC0];
	v11 =	vmul.f32 v11, v2  }
0x6f: {  	v12 =	vmul.f32 v12, v7;
	v9 =	vadd.f32 v13, v9;
	v13 =	vmul.f32 v15, v1;
	v15 =	vld [tilespmem:s2+$0xFFFFFFD0]  }
0x70: {  	v10 =	vld [tilespmem:s0+$0x0];
	v14 =	vmul.f32 v14, v8  }
0x71: {  	v9 =	vadd.f32 v12, v9;
	v11 =	vadd.f32 v11, v13;
	v12 =	vmul.f32 v16, v3;
	v13 =	vld [tilespmem:s2+$0xFFFFFFE0]  }
0x72: {  	v18 =	vld [tilespmem:s0+$0x10]  }
0x73: {  	v9 =	vadd.f32 v14, v9;
	v11 =	vadd.f32 v12, v11;
	v12 =	vmul.f32 v17, v4;
	v14 =	vld [tilespmem:s2+$0xFFFFFFF0]  }
0x74: {  	v20 =	vld [tilespmem:s0+$0x20];
	v17 =	vmul.f32 v19, v1;
	v15 =	vmul.f32 v15, v2  }
0x75: {  	(xrf2) =	vadd.scan.msk.f32 $0xffff, v9;
	v9 =	vadd.f32 v12, v11;
	v11 =	vld [tilespmem:s2+$0x0]  }
0x76: {  	v10 =	vmul.f32 v10, v5;
	v15 =	vadd.f32 v15, v17;
	v13 =	vmul.f32 v13, v3  }
0x77: {  	v16 =	vld [tilespmem:s0+$0x30];
	v17 =	vmul.f32 v18, v6  }
0x78: {  	s0 =	sadd.s32 $0x80, s2;
	v19 =	vld [tilespmem:s2+$0x10];
	v9 =	vadd.f32 v10, v9;
	v13 =	vadd.f32 v13, v15;
	v14 =	vmul.f32 v14, v4  }
0x79: {  	v12 =	vld [tilespmem:s0+$0xFFFFFFC0];
	v18 =	vmul.f32 v20, v7  }
0x7a: {  	v10 =	vld [tilespmem:s0+$0xFFFFFFD0];
	v17 =	vadd.f32 v17, v9;
	v13 =	vadd.f32 v14, v13;
	v14 =	vmul.f32 v11, v5  }
0x7b: {  	v15 =	vld [tilespmem:s2+$0x20]  }
0x7c: {  	v16 =	vmul.f32 v16, v8;
	v17 =	vadd.f32 v18, v17;
	v14 =	vadd.f32 v14, v13  }
0x7d: {  	v20 =	vld [tilespmem:s0+$0xFFFFFFE0]  }
0x7e: {  	v21 =	vld [tilespmem:s2+$0x30];
	v19 =	vmul.f32 v19, v6;
	v16 =	vadd.f32 v16, v17  }
0x7f: {  	v11 =	vld [tilespmem:s0+$0xFFFFFFF0];
	v18 =	vmul.f32 v12, v1  }
0x80: {  	s13 =	simm.s32 $0x0;
	v22 =	vmul.f32 v10, v2;
	v10 =	vld [tilespmem:s0+$0x10];
	v12 =	vmul.f32 v15, v7;
	v15 =	vadd.f32 v19, v14;
	v14, _, _ =	vpop (xrf2);
	(xrf2) =	vadd.scan.msk.f32 $0xffff, v16  }
0x81: {  	v23 =	vmov s13;
	s12 =	sadd.s32 $0x80, s0;
	v13 =	vld [tilespmem:s0+$0x0]  }
0x82: {  	s31 =	sshll.u32 s30, $0x4;
	s8 =	simm.s32 $0x1;
	s11 =	simm.s32 $0x3;
	vm0 =	veq.s32 v23, v0;
	v20 =	vmul.f32 v20, v3;
	v17 =	vld [tilespmem:s12+$0xFFFFFFC0];
	v18 =	vadd.f32 v22, v18  }
0x83: {  	s3 =	simm.s32 $0x4;
	s13 =	simm.s32 $0x5;
	s2 =	simm.s32 $0x2;
	v9 =	vimm.f32 $0.0e+00;
	v19 =	vld [tilespmem:s12+$0xFFFFFFD0];
	v16 =	vmul.f32 v21, v8;
	v14 =	vbroadcast v14, $0xF  }
.LBB2_3:
0x84: {  	p0 =	sne.s32 s13, $0xF;
	v18 =	vadd.f32 v20, v18;
	v11 =	vmul.f32 v11, v4;
	v20 =	vld [tilespmem:s0+$0x20];
	v12 =	vadd.f32 v12, v15  }
0x85: {  	v15 =	vld [tilespmem:s12+$0xFFFFFFE0];
	v9 =	vsel vm0, v14, v9  }
0x86: {  	v14 =	vadd.f32 v11, v18;
	v13 =	vmul.f32 v13, v5;
	v21 =	vld [tilespmem:s0+$0x30];
	v12 =	vadd.f32 v16, v12;
	s0 =	smov.u32 s12  }
.Ltmp0:
0x87: {  	v16 =	vmul.f32 v10, v6;
	v11 =	vld [tilespmem:s12+$0xFFFFFFF0];
	(pc) =	sbr.rel @p0 .LBB2_3-.Ltmp0, $4  }
0x88: {  	v18 =	vmul.f32 v17, v1;
	v19 =	vmul.f32 v19, v2;
	v10 =	vld [tilespmem:s12+$0x10];
	v23 =	vadd.f32 v13, v14;
	(xrf2) =	vadd.scan.msk.f32 $0xffff, v12  }
0x89: {  	v22 =	vmov s8;
	s8 =	smov.u32 s2;
	s2 =	smov.u32 s11;
	s12 =	sadd.s32 $0x80, s12;
	v13 =	vld [tilespmem:s0+$0x0];
	v12 =	vmul.f32 v20, v7  }
0x8a: {  	s11 =	smov.u32 s3;
	s3 =	smov.u32 s13;
	v17 =	vld [tilespmem:s12+$0xFFFFFFC0];
	v18 =	vadd.f32 v19, v18;
	v20 =	vmul.f32 v15, v3;
	v15 =	vadd.f32 v16, v23;
	v14, _, _ =	vpop (xrf2)  }
0x8b: {  	s13 =	sadd.s32 $0x1, s13;
	vm0 =	veq.s32 v22, v0;
	v19 =	vld [tilespmem:s12+$0xFFFFFFD0];
	v16 =	vmul.f32 v21, v8;
	v14 =	vbroadcast v14, $0xF  }
0x8c: {  	_ = 	snop  }
0x8d: {  	v21 =	vld [tilespmem:s12+$0xFFFFFFE0];
	_ =	sdelay $0x1  }
0x8e: {  	v22 =	vld [tilespmem:s12+$0xFFFFFFF0]  }
0x8f: {  	v17 =	vmul.f32 v17, v1;
	v19 =	vmul.f32 v19, v2  }
0x90: {  	v23 =	vld [tilespmem:s12+$0x0]  }
0x91: {  	v51 =	vmul.f32 v21, v3;
	v17 =	vadd.f32 v19, v17  }
0x92: {  	v18 =	vadd.f32 v20, v18;
	v11 =	vmul.f32 v11, v4;
	v52 =	vld [tilespmem:s12+$0x10]  }
0x93: {  	v53 =	vld [tilespmem:s0+$0x20];
	v54 =	vmul.f32 v22, v4;
	v17 =	vadd.f32 v51, v17  }
0x94: {  	v55 =	vld [tilespmem:s12+$0x20];
	v11 =	vadd.f32 v11, v18;
	v13 =	vmul.f32 v13, v5  }
0x95: {  	v56 =	vld [tilespmem:s0+$0x30];
	v57 =	vmul.f32 v23, v5;
	v17 =	vadd.f32 v54, v17  }
0x96: {  	v58 =	vld [tilespmem:s12+$0x30];
	v10 =	vmul.f32 v10, v6;
	v11 =	vadd.f32 v13, v11  }
0x97: {  	v20 =	vmul.f32 v52, v6;
	v17 =	vadd.f32 v57, v17  }
0x98: {  	v12 =	vadd.f32 v12, v15;
	v59 =	vmul.f32 v53, v7;
	v10 =	vadd.f32 v10, v11  }
0x99: {  	v11 =	vmul.f32 v55, v7;
	v17 =	vadd.f32 v20, v17  }
0x9a: {  	v12 =	vadd.f32 v16, v12;
	v60 =	vmul.f32 v56, v8;
	v10 =	vadd.f32 v59, v10  }
0x9b: {  	v13 =	vmul.f32 v58, v8;
	v11 =	vadd.f32 v11, v17  }
0x9c: {  	(xrf2) =	vadd.scan.msk.f32 $0xffff, v12;
	v10 =	vadd.f32 v60, v10  }
0x9d: {  	v11 =	vadd.f32 v13, v11  }
0x9e: {  	(xrf2) =	vadd.scan.msk.f32 $0xffff, v10  }
0x9f: {  	(xrf2) =	vadd.scan.msk.f32 $0xffff, v11;
	_ =	sdelay $0x3  }
0xa0: {  	v10, _, _ =	vpop (xrf2)  }
0xa1: {  	v10 =	vbroadcast v10, $0xF;
	_ =	sdelay $0x1  }
0xa2: {  	v61 =	vmov s8;
	v62 =	vmov s2;
	v11, _, _ =	vpop (xrf2)  }
0xa3: {  	s30 =	sadd.s32 $0x1, s30;
	v9 =	vsel vm0, v14, v9;
	vm12 =	veq.s32 v61, v0;
	v11 =	vbroadcast v11, $0xF  }
0xa4: {  	vm13 =	veq.s32 v62, v0;
	p0 =	sne.s32 s30, $0x20;
	v9 =	vsel vm12, v10, v9;
	v10, _, _ =	vpop (xrf2)  }
.Ltmp1:
0xa5: {  	v10 =	vbroadcast v10, $0xF;
	v9 =	vsel vm13, v11, v9;
	v11 =	vmov s11;
	v63, _, _ =	vpop (xrf2);
	(pc) =	sbr.rel @p0 .LBB2_2-.Ltmp1, $4  }
0xa6: {  	vm14 =	veq.s32 v11, v0;
	v11 =	vmov s3;
	v12 =	vbroadcast v63, $0xF  }
0xa7: {  	v9 =	vsel vm14, v10, v9;
	vm15 =	veq.s32 v11, v0  }
0xa8: {  	v9 =	vsel vm15, v12, v9  }
0xa9: {  	s29 =	sadd.s32 $0x800, s29;
	[tilespmem:s31+$0x10280] =	vst v9  }
0xaa: {  	s28 =	sadd.s32 $0x1, s28  }
0xab: {  	p0 =	sne.s32 s28, s7  }
.Ltmp2:
0xac: {  	_ = 	snop;
	(pc) =	sbr.rel @p0 .LBB2_1-.Ltmp2, $4  }
0xad: {  	[hbm4b:s6+s4] =	stream.linear.scatter [tilespmem:s25], [sflag:$0x2], $0x200, $0x38;
	[tilespmem:$0x10480] =	vst v63  }
0xae: {  	_ =	swait.ge [sflag:s26], $0x200  }
0xaf: {  	[sflag:s26] =	ssyncset.done $0x0  }
0xb0: {  	[sflag:s26] =	ssyncadd.s32 $0xFFFFFE00  }
0xb1: {  	_ =	sfence.sel $0x180000  }
0xb2: {  	[bflag:$0x0] =	sbarrier.arrive $0xFFFF  }
0xb3: {  	_ =	strace $0x90000047  }
0xb4: {  	s0 =	stileid.u32;
	[bflag:$0x2] =	sbarrier.arrive $0xFFFF  }
0xb5: {  	p0 =	sne.s32 s0, $0x0;
	s0 =	rddreg [dreg:$0x4]  }
0xb6: {  	s0 =	sadd.s32 @!p0 $0x100000, s0  }
0xb7: {  	[sflag:s0] =	ssyncadd.tile.s32 @!p0 $0x1;
	_ =	shalt  }
.Lfunc_end2:
_tile_overlayer_lowered:
.L_overlay_start_2:
0xb8: {  	(tag) =	ssettag $0x2  }
0xb9: {  	s0 =	rddreg [dreg:$0x0];
	s2 =	stileid.u32  }
0xba: {  	s1 =	rddreg [dreg:$0x1];
	p0 =	sne.s32 s2, $0x0  }
0xbb: {  	s3 =	rddreg [dreg:$0x2];
	[bflag:$0x3] =	sbarrier.arrive $0xFFFF;
	s2 =	simm.s32 @!p0 $0x1C02  }
0xbc: {  	[timem:s3], [sflag:s2] =	dma.local @!p0 [hbm:s0], s1  }
0xbd: {  	s0 =	simm.s32 @!p0 $0x2  }
0xbe: {  	_ =	swait.ge @!p0 [sflag:s0], s1  }
0xbf: {  	s1 =	ssub.s32 @!p0 $0x0, s1;
	[sflag:s0] =	ssyncset.done @!p0 $0x0  }
0xc0: {  	[sflag:s0] =	ssyncadd.s32 @!p0 s1  }
0xc1: {  	[bflag:$0x3] =	sbarrier.arrive $0xFFFF  }
0xc2: {  	_ =	shalt  }

</sc_bundles>
